<compile_context>
chip_gen: v7x
topology: tpu7x:2x2x1
jax: 0.10.2.dev20260603
libtpu: 0.0.44.dev20260713+nightly
codegen_flags: <defaults>
</compile_context>

<pallas_src>
import functools

import jax
import jax.numpy as jnp
from jax.experimental import pallas as pl
from jax.experimental.pallas import tpu as pltpu
from jax.experimental.pallas import tpu_sc as plsc

_CONF = 0.7
_IOU = 0.45
_MAXDET = 300
_K = 1000
_N = 20000
_ROWS = 160
_COLS = 128
_NPAD = _ROWS * _COLS
_CSLOTS = 1024
_CBUF = _CSLOTS + 32

_BITS_NEG1 = -1082130432
_BITS_ONE = 1065353216

_BLK = 2048
_NBLK = _NPAD // _BLK
_L = 16



def _cutoff_body(objcls_ref, out_ref):
    conf = objcls_ref[0] * objcls_ref[1]
    s0 = jnp.where(conf > _CONF, conf, -1.0)
    s_int = jax.lax.bitcast_convert_type(s0, jnp.int32)
    kf = jnp.float32(_K)

    pos_cnt = jnp.sum(jnp.where(s_int >= 0, 1.0, 0.0))

    def bis_body(_, lh):
        lo, hi = lh
        mid = lo + (hi - lo + 1) // 2
        cnt = jnp.sum(jnp.where(s_int >= mid, 1.0, 0.0))
        ok = cnt >= kf
        return (jnp.where(ok, mid, lo), jnp.where(ok, hi, mid - 1))

    vpos, _ = jax.lax.fori_loop(
        0, 31, bis_body, (jnp.int32(0), jnp.int32(_BITS_ONE)))
    v = jnp.where(pos_cnt >= kf, vpos, jnp.int32(_BITS_NEG1))

    idx2d = (jax.lax.broadcasted_iota(jnp.int32, (_ROWS, _COLS), 0) * _COLS
             + jax.lax.broadcasted_iota(jnp.int32, (_ROWS, _COLS), 1))
    eq = s_int == v
    c_gt = jnp.sum(jnp.where(s_int > v, 1.0, 0.0))

    def jbody(_, lh):
        lo, hi = lh
        mid = (lo + hi) // 2
        cnt = c_gt + jnp.sum(jnp.where(eq & (idx2d <= mid), 1.0, 0.0))
        ok = cnt >= kf
        return (jnp.where(ok, lo, mid + 1), jnp.where(ok, mid, hi))

    jcut, _ = jax.lax.fori_loop(
        0, 15, jbody, (jnp.int32(0), jnp.int32(_NPAD - 1)))

    lane2d = jax.lax.broadcasted_iota(jnp.int32, (8, _COLS), 1)
    out_ref[:, :] = jnp.where(lane2d < _L, v, jcut)


def _cutoff_call(objcls):
    return pl.pallas_call(
        _cutoff_body,
        out_shape=jax.ShapeDtypeStruct((8, _COLS), jnp.int32),
    )(objcls)



def _sc_compact_body(fields_hbm, cut_hbm, out_hbm, cutv, *bufs):
    fbufs = bufs[:9]
    cbufs = bufs[9:]
    wid = jax.lax.axis_index("s") * 2 + jax.lax.axis_index("c")

    @pl.when(wid == 0)
    def _():
        pltpu.sync_copy(cut_hbm.at[pl.ds(0, 2 * _L)], cutv)

        def zinit(k, c):
            zeros = jnp.zeros((_L,), jnp.float32)
            for f in range(9):
                cbufs[f][pl.ds(k * _L, _L)] = zeros
            return c

        jax.lax.fori_loop(0, _CBUF // _L, zinit, 0)

        def block(b, off):
            for f in range(9):
                pltpu.sync_copy(
                    fields_hbm.at[pl.ds(f * _NPAD + b * _BLK, _BLK)],
                    fbufs[f])

            def chunk(j, off):
                vvec = cutv[pl.ds(0, _L)]
                jvec = cutv[pl.ds(_L, _L)]
                lane = jax.lax.broadcasted_iota(jnp.int32, (_L,), 0)
                obj = fbufs[4][pl.ds(j * _L, _L)]
                cls = fbufs[5][pl.ds(j * _L, _L)]
                conf = obj * cls
                s0 = jnp.where(conf > _CONF, conf, -1.0)
                s_int = jax.lax.bitcast_convert_type(s0, jnp.int32)
                gidx = b * _BLK + j * _L + lane
                keep = (s_int > vvec) | ((s_int == vvec) & (gidx <= jvec))
                nvec = plsc.all_reduce_population_count(keep)
                n = nvec[0]
                for f in range(9):
                    x = fbufs[f][pl.ds(j * _L, _L)]
                    plsc.store_compressed(cbufs[f].at[pl.ds(off, _L)],
                                          x, mask=keep)
                return jnp.minimum(off + n, _CSLOTS)

            return jax.lax.fori_loop(0, _BLK // _L, chunk, off)

        jax.lax.fori_loop(0, _NBLK, block, jnp.int32(0))

        for f in range(9):
            pltpu.sync_copy(cbufs[f].at[pl.ds(0, _CSLOTS)],
                            out_hbm.at[pl.ds(f * _CSLOTS, _CSLOTS)])


def _sc_compact(fields_flat, cut_flat):
    mesh = plsc.VectorSubcoreMesh(core_axis_name="c", subcore_axis_name="s")
    scratch = ([pltpu.VMEM((2 * _L,), jnp.int32)]
               + [pltpu.VMEM((_BLK,), jnp.float32)] * 9
               + [pltpu.VMEM((_CBUF,), jnp.float32)] * 9)
    fn = functools.partial(
        pl.kernel,
        mesh=mesh,
        out_type=jax.ShapeDtypeStruct((9 * _CSLOTS,), jnp.float32),
        scratch_types=scratch,
        compiler_params=pltpu.CompilerParams(needs_layout_passes=False),
    )(_sc_compact_body)
    return fn(fields_flat, cut_flat)



def _greedy_body(cf_ref, out_ref):
    cx = cf_ref[0]
    cy = cf_ref[1]
    w = cf_ref[2]
    h = cf_ref[3]
    conf = cf_ref[4] * cf_ref[5]
    s_start = jnp.where(conf > _CONF, conf, -1.0)
    x1 = cx - w * 0.5
    y1 = cy - h * 0.5
    x2 = cx + w * 0.5
    y2 = cy + h * 0.5
    area = (x2 - x1) * (y2 - y1)
    pit = cf_ref[6]
    yaw = cf_ref[7]
    rol = cf_ref[8]

    idx2d = (jax.lax.broadcasted_iota(jnp.int32, (8, _COLS), 0) * _COLS
             + jax.lax.broadcasted_iota(jnp.int32, (8, _COLS), 1))

    def step(t, carry):
        s, ax1, ay1, ax2, ay2, acf, apt, ayw, arl = carry
        m = jnp.max(s)
        valid = jnp.where(m > 0.0, 1.0, 0.0)
        bidx = jnp.min(jnp.where(s == m, idx2d, jnp.int32(_CSLOTS)))
        oh1 = jnp.where(idx2d == bidx, 1.0, 0.0)
        bx1 = jnp.sum(x1 * oh1)
        by1 = jnp.sum(y1 * oh1)
        bx2 = jnp.sum(x2 * oh1)
        by2 = jnp.sum(y2 * oh1)
        bpt = jnp.sum(pit * oh1)
        byw = jnp.sum(yaw * oh1)
        brl = jnp.sum(rol * oh1)
        ba = (bx2 - bx1) * (by2 - by1)

        ix1 = jnp.maximum(bx1, x1)
        iy1 = jnp.maximum(by1, y1)
        ix2 = jnp.minimum(bx2, x2)
        iy2 = jnp.minimum(by2, y2)
        inter = jnp.clip(ix2 - ix1, 0.0) * jnp.clip(iy2 - iy1, 0.0)
        iou = inter / (ba + area - inter + 1e-9)
        supp = (iou > _IOU) | (idx2d == bidx)
        s = jnp.where(supp, -1.0, s)

        oh = jnp.where(idx2d == t, valid, 0.0)
        return (s,
                ax1 + oh * bx1, ay1 + oh * by1,
                ax2 + oh * bx2, ay2 + oh * by2,
                acf + oh * m,
                apt + oh * bpt, ayw + oh * byw, arl + oh * brl)

    z = jnp.zeros((8, _COLS), jnp.float32)
    carry = jax.lax.fori_loop(
        0, _MAXDET, step, (s_start, z, z, z, z, z, z, z, z))
    _, ax1, ay1, ax2, ay2, acf, apt, ayw, arl = carry

    out_ref[0, :, :] = ax1
    out_ref[1, :, :] = ay1
    out_ref[2, :, :] = ax2
    out_ref[3, :, :] = ay2
    out_ref[4, :, :] = acf
    out_ref[5, :, :] = z
    out_ref[6, :, :] = apt
    out_ref[7, :, :] = ayw
    out_ref[8, :, :] = arl


def _greedy_call(cfields):
    return pl.pallas_call(
        _greedy_body,
        out_shape=jax.ShapeDtypeStruct((9, 8, _COLS), jnp.float32),
    )(cfields)



def kernel(predictions):
    p = predictions[0]
    pt = jnp.pad(p.T, ((0, 0), (0, _NPAD - _N)))
    cut = _cutoff_call(pt[4:6].reshape(2, _ROWS, _COLS))
    compact = _sc_compact(pt.reshape(-1), cut.reshape(-1))
    return compact

# --- scband reference (transcript-rebuilt; emitter-appended) ---
"""Pipeline reference for scband-direct-mhpinfer-43937515438316 (READ-ONLY COPY).

The authoritative reference and input builder live on the scoring server;
editing this copy changes nothing except your own understanding.
"""

import jax, jax.numpy as jnp
import numpy as np

CONF_THRES = 0.7
IOU_THRES = 0.45
MAX_DET = 300
N_CAND = 1000


def _xywh2xyxy(b):
    cx, cy, w, h = b[..., 0], b[..., 1], b[..., 2], b[..., 3]
    return jnp.stack([cx - w / 2.0, cy - h / 2.0, cx + w / 2.0, cy + h / 2.0], axis=-1)


def _iou_one_vs_all(box, boxes):
    x1 = jnp.maximum(box[0], boxes[:, 0])
    y1 = jnp.maximum(box[1], boxes[:, 1])
    x2 = jnp.minimum(box[2], boxes[:, 2])
    y2 = jnp.minimum(box[3], boxes[:, 3])
    inter = jnp.clip(x2 - x1, 0.0) * jnp.clip(y2 - y1, 0.0)
    a1 = (box[2] - box[0]) * (box[3] - box[1])
    a2 = (boxes[:, 2] - boxes[:, 0]) * (boxes[:, 3] - boxes[:, 1])
    return inter / (a1 + a2 - inter + 1e-9)


def _non_max_suppression(predictions):
    # predictions: [1, N, 9] = cx,cy,w,h,obj_conf,cls_conf,pitch,yaw,roll (single class, DirectMHP head)
    p = predictions[0]
    boxes = _xywh2xyxy(p[:, :4])
    conf = p[:, 4] * p[:, 5]  # obj_conf * cls_conf (YOLO convention)
    angles = p[:, 6:9]
    scores = jnp.where(conf > CONF_THRES, conf, -1.0)
    # pre-select top candidates (YOLO NMS caps candidates before greedy loop)
    top_s, top_i = jax.lax.top_k(scores, N_CAND)
    cboxes = boxes[top_i]
    cang = angles[top_i]

    def step(scores_cur, _):
        best = jnp.argmax(scores_cur)
        s = scores_cur[best]
        valid = (s > 0.0).astype(jnp.float32)
        b = cboxes[best]
        iou = _iou_one_vs_all(b, cboxes)
        scores_next = jnp.where(iou > IOU_THRES, -1.0, scores_cur)
        scores_next = scores_next.at[best].set(-1.0)
        row = jnp.concatenate([b, s[None], jnp.zeros((1,), jnp.float32), cang[best]]) * valid
        return scores_next, row

    _, rows = jax.lax.scan(step, top_s, None, length=MAX_DET)
    # rows: [MAX_DET, 9] = x1,y1,x2,y2,conf,class,pitch,yaw,roll (zero-padded past last detection)
    return rows


def setup_inputs(seed: int = 0) -> dict:
    key = jax.random.key(seed)
    predictions = jax.random.uniform(key, (1, 20000, 9), dtype=jnp.float32)
    return {"predictions": predictions}


def reference(predictions):
    return _non_max_suppression(predictions)

if __name__ == "__main__":
    import jax
    _d = setup_inputs()
    print(jax.jit(kernel)(*tuple(_d.values())))

</pallas_src>

<mosaic_0001>
#map = affine_map<(d0, d1) -> (0)>
module attributes {stable_mosaic.version = 14 : i64} {
  func.func @_sc_compact_body(%arg0: i32, %arg1: i32, %arg2: memref<184320xf32, #tpu.memory_space<hbm>>, %arg3: memref<1024xi32, #tpu.memory_space<hbm>>, %arg4: memref<9216xf32, #tpu.memory_space<hbm>>, %arg5: memref<32xi32, #tpu.memory_space<vmem>>, %arg6: memref<2048xf32, #tpu.memory_space<vmem>>, %arg7: memref<2048xf32, #tpu.memory_space<vmem>>, %arg8: memref<2048xf32, #tpu.memory_space<vmem>>, %arg9: memref<2048xf32, #tpu.memory_space<vmem>>, %arg10: memref<2048xf32, #tpu.memory_space<vmem>>, %arg11: memref<2048xf32, #tpu.memory_space<vmem>>, %arg12: memref<2048xf32, #tpu.memory_space<vmem>>, %arg13: memref<2048xf32, #tpu.memory_space<vmem>>, %arg14: memref<2048xf32, #tpu.memory_space<vmem>>, %arg15: memref<1056xf32, #tpu.memory_space<vmem>>, %arg16: memref<1056xf32, #tpu.memory_space<vmem>>, %arg17: memref<1056xf32, #tpu.memory_space<vmem>>, %arg18: memref<1056xf32, #tpu.memory_space<vmem>>, %arg19: memref<1056xf32, #tpu.memory_space<vmem>>, %arg20: memref<1056xf32, #tpu.memory_space<vmem>>, %arg21: memref<1056xf32, #tpu.memory_space<vmem>>, %arg22: memref<1056xf32, #tpu.memory_space<vmem>>, %arg23: memref<1056xf32, #tpu.memory_space<vmem>>) attributes {dimension_semantics = [#tpu.dimension_semantics<core_parallel>, #tpu.dimension_semantics<subcore_parallel>], iteration_bounds = array<i64: 2, 16>, scalar_prefetch = 0 : i64, scratch_operands = 19 : i64, tpu.core_type = #tpu.core_type<sc_vector_subcore>, window_params = [{transform_indices = #map}, {transform_indices = #map}, {transform_indices = #map}]} {
    %mul3A = arith.constant 2 : i32
    %mul3A_0 = arith.muli %arg1, %mul3A : i32
    %add3A = arith.addi %mul3A_0, %arg0 : i32
    %eq3A = arith.constant 0 : i32
    %eq3A_1 = arith.cmpi eq, %add3A, %eq3A : i32
    %convert_element_type3A = arith.extui %eq3A_1 : i1 to i32
    %cond3A = arith.constant 0 : i32
    %cond3A_2 = arith.cmpi ne, %convert_element_type3A, %cond3A : i32
    scf.if %cond3A_2 {
      "tpu.region"() ({
        %run_scoped3A = tpu.sem_alloc : memref<!tpu.dma_semaphore, #tpu.memory_space<semaphore_mem>>
        %dma_start3A = arith.constant 0 : i32
        %dma_start3A_15 = tpu.memref_slice %arg3[%dma_start3A] : memref<1024xi32, #tpu.memory_space<hbm>> -> memref<32xi32, #tpu.memory_space<hbm>>
        %dma_start3A_16 = arith.constant 0 : i32
        %dma_start3A_17 = tpu.memref_slice %arg3[%dma_start3A_16] : memref<1024xi32, #tpu.memory_space<hbm>> -> memref<32xi32, #tpu.memory_space<hbm>>
        tpu.enqueue_dma source(%dma_start3A_17 : memref<32xi32, #tpu.memory_space<hbm>>) target(%arg5 : memref<32xi32, #tpu.memory_space<vmem>>) target_semaphore(%run_scoped3A : memref<!tpu.dma_semaphore, #tpu.memory_space<semaphore_mem>>)
        %dma_wait3A = arith.constant 0 : i32
        %dma_wait3A_18 = tpu.memref_slice %arg3[%dma_wait3A] : memref<1024xi32, #tpu.memory_space<hbm>> -> memref<32xi32, #tpu.memory_space<hbm>>
        %dma_wait3A_19 = arith.constant 0 : i32
        %dma_wait3A_20 = tpu.memref_slice %arg3[%dma_wait3A_19] : memref<1024xi32, #tpu.memory_space<hbm>> -> memref<32xi32, #tpu.memory_space<hbm>>
        tpu.wait_dma2 semaphore(%run_scoped3A : memref<!tpu.dma_semaphore, #tpu.memory_space<semaphore_mem>>) src(%dma_wait3A_20 : memref<32xi32, #tpu.memory_space<hbm>>) dst(%arg5 : memref<32xi32, #tpu.memory_space<vmem>>)
        tpu.yield
      }) : () -> ()
      %scan3A = arith.constant 0 : i32
      %scan3A_3 = arith.constant 0 : i32
      %scan3A_4 = arith.constant 66 : i32
      %scan3A_5 = arith.addi %scan3A_3, %scan3A_4 : i32
      %scan3A_6 = arith.constant 1 : i32
      scf.for %scan3A_15 = %scan3A_3 to %scan3A_5 step %scan3A_6  : i32 {
        %broadcast_in_dim3A = arith.constant 0.000000e+00 : f32
        %broadcast_in_dim3A_16 = vector.broadcast %broadcast_in_dim3A : f32 to vector<16xf32>
        %mul3A_17 = arith.constant 16 : i32
        %mul3A_18 = arith.muli %scan3A_15, %mul3A_17 : i32
        %swap3A = arith.index_cast %mul3A_18 : i32 to index
        %swap3A_19 = tpu.vector_load %arg15[%swap3A] {strides = array<i32>} : memref<1056xf32, #tpu.memory_space<vmem>>, vector<16xf32>,
        tpu.vector_store %arg15[%swap3A], %broadcast_in_dim3A_16 {strides = array<i32>} : memref<1056xf32, #tpu.memory_space<vmem>>, vector<16xf32>,
        %mul3A_20 = arith.constant 16 : i32
        %mul3A_21 = arith.muli %scan3A_15, %mul3A_20 : i32
        %swap3A_22 = arith.index_cast %mul3A_21 : i32 to index
        %swap3A_23 = tpu.vector_load %arg16[%swap3A_22] {strides = array<i32>} : memref<1056xf32, #tpu.memory_space<vmem>>, vector<16xf32>,
        tpu.vector_store %arg16[%swap3A_22], %broadcast_in_dim3A_16 {strides = array<i32>} : memref<1056xf32, #tpu.memory_space<vmem>>, vector<16xf32>,
        %mul3A_24 = arith.constant 16 : i32
        %mul3A_25 = arith.muli %scan3A_15, %mul3A_24 : i32
        %swap3A_26 = arith.index_cast %mul3A_25 : i32 to index
        %swap3A_27 = tpu.vector_load %arg17[%swap3A_26] {strides = array<i32>} : memref<1056xf32, #tpu.memory_space<vmem>>, vector<16xf32>,
        tpu.vector_store %arg17[%swap3A_26], %broadcast_in_dim3A_16 {strides = array<i32>} : memref<1056xf32, #tpu.memory_space<vmem>>, vector<16xf32>,
        %mul3A_28 = arith.constant 16 : i32
        %mul3A_29 = arith.muli %scan3A_15, %mul3A_28 : i32
        %swap3A_30 = arith.index_cast %mul3A_29 : i32 to index
        %swap3A_31 = tpu.vector_load %arg18[%swap3A_30] {strides = array<i32>} : memref<1056xf32, #tpu.memory_space<vmem>>, vector<16xf32>,
        tpu.vector_store %arg18[%swap3A_30], %broadcast_in_dim3A_16 {strides = array<i32>} : memref<1056xf32, #tpu.memory_space<vmem>>, vector<16xf32>,
        %mul3A_32 = arith.constant 16 : i32
        %mul3A_33 = arith.muli %scan3A_15, %mul3A_32 : i32
        %swap3A_34 = arith.index_cast %mul3A_33 : i32 to index
        %swap3A_35 = tpu.vector_load %arg19[%swap3A_34] {strides = array<i32>} : memref<1056xf32, #tpu.memory_space<vmem>>, vector<16xf32>,
        tpu.vector_store %arg19[%swap3A_34], %broadcast_in_dim3A_16 {strides = array<i32>} : memref<1056xf32, #tpu.memory_space<vmem>>, vector<16xf32>,
        %mul3A_36 = arith.constant 16 : i32
        %mul3A_37 = arith.muli %scan3A_15, %mul3A_36 : i32
        %swap3A_38 = arith.index_cast %mul3A_37 : i32 to index
        %swap3A_39 = tpu.vector_load %arg20[%swap3A_38] {strides = array<i32>} : memref<1056xf32, #tpu.memory_space<vmem>>, vector<16xf32>,
        tpu.vector_store %arg20[%swap3A_38], %broadcast_in_dim3A_16 {strides = array<i32>} : memref<1056xf32, #tpu.memory_space<vmem>>, vector<16xf32>,
        %mul3A_40 = arith.constant 16 : i32
        %mul3A_41 = arith.muli %scan3A_15, %mul3A_40 : i32
        %swap3A_42 = arith.index_cast %mul3A_41 : i32 to index
        %swap3A_43 = tpu.vector_load %arg21[%swap3A_42] {strides = array<i32>} : memref<1056xf32, #tpu.memory_space<vmem>>, vector<16xf32>,
        tpu.vector_store %arg21[%swap3A_42], %broadcast_in_dim3A_16 {strides = array<i32>} : memref<1056xf32, #tpu.memory_space<vmem>>, vector<16xf32>,
        %mul3A_44 = arith.constant 16 : i32
        %mul3A_45 = arith.muli %scan3A_15, %mul3A_44 : i32
        %swap3A_46 = arith.index_cast %mul3A_45 : i32 to index
        %swap3A_47 = tpu.vector_load %arg22[%swap3A_46] {strides = array<i32>} : memref<1056xf32, #tpu.memory_space<vmem>>, vector<16xf32>,
        tpu.vector_store %arg22[%swap3A_46], %broadcast_in_dim3A_16 {strides = array<i32>} : memref<1056xf32, #tpu.memory_space<vmem>>, vector<16xf32>,
        %mul3A_48 = arith.constant 16 : i32
        %mul3A_49 = arith.muli %scan3A_15, %mul3A_48 : i32
        %swap3A_50 = arith.index_cast %mul3A_49 : i32 to index
        %swap3A_51 = tpu.vector_load %arg23[%swap3A_50] {strides = array<i32>} : memref<1056xf32, #tpu.memory_space<vmem>>, vector<16xf32>,
        tpu.vector_store %arg23[%swap3A_50], %broadcast_in_dim3A_16 {strides = array<i32>} : memref<1056xf32, #tpu.memory_space<vmem>>, vector<16xf32>,
      }
      %scan3A_7 = arith.constant 66 : i32
      %scan3A_8 = arith.constant 0 : i32
      %scan3A_9 = arith.constant 0 : i32
      %scan3A_10 = arith.constant 10 : i32
      %scan3A_11 = arith.addi %scan3A_9, %scan3A_10 : i32
      %scan3A_12 = arith.constant 1 : i32
      %scan3A_13 = scf.for %scan3A_15 = %scan3A_9 to %scan3A_11 step %scan3A_12 iter_args(%scan3A_16 = %scan3A_8) -> (i32)  : i32 {
        %mul3A_17 = arith.constant 2048 : i32
        %mul3A_18 = arith.muli %scan3A_15, %mul3A_17 : i32
        %add3A_19 = arith.constant 0 : i32
        %add3A_20 = arith.addi %add3A_19, %mul3A_18 : i32
        "tpu.region"() ({
          %run_scoped3A = tpu.sem_alloc : memref<!tpu.dma_semaphore, #tpu.memory_space<semaphore_mem>>
          %dma_start3A = tpu.memref_slice %arg2[%add3A_20] : memref<184320xf32, #tpu.memory_space<hbm>> -> memref<2048xf32, #tpu.memory_space<hbm>>
          %dma_start3A_59 = tpu.memref_slice %arg2[%add3A_20] : memref<184320xf32, #tpu.memory_space<hbm>> -> memref<2048xf32, #tpu.memory_space<hbm>>
          tpu.enqueue_dma source(%dma_start3A_59 : memref<2048xf32, #tpu.memory_space<hbm>>) target(%arg6 : memref<2048xf32, #tpu.memory_space<vmem>>) target_semaphore(%run_scoped3A : memref<!tpu.dma_semaphore, #tpu.memory_space<semaphore_mem>>)
          %dma_wait3A = tpu.memref_slice %arg2[%add3A_20] : memref<184320xf32, #tpu.memory_space<hbm>> -> memref<2048xf32, #tpu.memory_space<hbm>>
          %dma_wait3A_60 = tpu.memref_slice %arg2[%add3A_20] : memref<184320xf32, #tpu.memory_space<hbm>> -> memref<2048xf32, #tpu.memory_space<hbm>>
          tpu.wait_dma2 semaphore(%run_scoped3A : memref<!tpu.dma_semaphore, #tpu.memory_space<semaphore_mem>>) src(%dma_wait3A_60 : memref<2048xf32, #tpu.memory_space<hbm>>) dst(%arg6 : memref<2048xf32, #tpu.memory_space<vmem>>)
          tpu.yield
        }) : () -> ()
        %mul3A_21 = arith.constant 2048 : i32
        %mul3A_22 = arith.muli %scan3A_15, %mul3A_21 : i32
        %add3A_23 = arith.constant 20480 : i32
        %add3A_24 = arith.addi %add3A_23, %mul3A_22 : i32
        "tpu.region"() ({
          %run_scoped3A = tpu.sem_alloc : memref<!tpu.dma_semaphore, #tpu.memory_space<semaphore_mem>>
          %dma_start3A = tpu.memref_slice %arg2[%add3A_24] : memref<184320xf32, #tpu.memory_space<hbm>> -> memref<2048xf32, #tpu.memory_space<hbm>>
          %dma_start3A_59 = tpu.memref_slice %arg2[%add3A_24] : memref<184320xf32, #tpu.memory_space<hbm>> -> memref<2048xf32, #tpu.memory_space<hbm>>
          tpu.enqueue_dma source(%dma_start3A_59 : memref<2048xf32, #tpu.memory_space<hbm>>) target(%arg7 : memref<2048xf32, #tpu.memory_space<vmem>>) target_semaphore(%run_scoped3A : memref<!tpu.dma_semaphore, #tpu.memory_space<semaphore_mem>>)
          %dma_wait3A = tpu.memref_slice %arg2[%add3A_24] : memref<184320xf32, #tpu.memory_space<hbm>> -> memref<2048xf32, #tpu.memory_space<hbm>>
          %dma_wait3A_60 = tpu.memref_slice %arg2[%add3A_24] : memref<184320xf32, #tpu.memory_space<hbm>> -> memref<2048xf32, #tpu.memory_space<hbm>>
          tpu.wait_dma2 semaphore(%run_scoped3A : memref<!tpu.dma_semaphore, #tpu.memory_space<semaphore_mem>>) src(%dma_wait3A_60 : memref<2048xf32, #tpu.memory_space<hbm>>) dst(%arg7 : memref<2048xf32, #tpu.memory_space<vmem>>)
          tpu.yield
        }) : () -> ()
        %mul3A_25 = arith.constant 2048 : i32
        %mul3A_26 = arith.muli %scan3A_15, %mul3A_25 : i32
        %add3A_27 = arith.constant 40960 : i32
        %add3A_28 = arith.addi %add3A_27, %mul3A_26 : i32
        "tpu.region"() ({
          %run_scoped3A = tpu.sem_alloc : memref<!tpu.dma_semaphore, #tpu.memory_space<semaphore_mem>>
          %dma_start3A = tpu.memref_slice %arg2[%add3A_28] : memref<184320xf32, #tpu.memory_space<hbm>> -> memref<2048xf32, #tpu.memory_space<hbm>>
          %dma_start3A_59 = tpu.memref_slice %arg2[%add3A_28] : memref<184320xf32, #tpu.memory_space<hbm>> -> memref<2048xf32, #tpu.memory_space<hbm>>
          tpu.enqueue_dma source(%dma_start3A_59 : memref<2048xf32, #tpu.memory_space<hbm>>) target(%arg8 : memref<2048xf32, #tpu.memory_space<vmem>>) target_semaphore(%run_scoped3A : memref<!tpu.dma_semaphore, #tpu.memory_space<semaphore_mem>>)
          %dma_wait3A = tpu.memref_slice %arg2[%add3A_28] : memref<184320xf32, #tpu.memory_space<hbm>> -> memref<2048xf32, #tpu.memory_space<hbm>>
          %dma_wait3A_60 = tpu.memref_slice %arg2[%add3A_28] : memref<184320xf32, #tpu.memory_space<hbm>> -> memref<2048xf32, #tpu.memory_space<hbm>>
          tpu.wait_dma2 semaphore(%run_scoped3A : memref<!tpu.dma_semaphore, #tpu.memory_space<semaphore_mem>>) src(%dma_wait3A_60 : memref<2048xf32, #tpu.memory_space<hbm>>) dst(%arg8 : memref<2048xf32, #tpu.memory_space<vmem>>)
          tpu.yield
        }) : () -> ()
        %mul3A_29 = arith.constant 2048 : i32
        %mul3A_30 = arith.muli %scan3A_15, %mul3A_29 : i32
        %add3A_31 = arith.constant 61440 : i32
        %add3A_32 = arith.addi %add3A_31, %mul3A_30 : i32
        "tpu.region"() ({
          %run_scoped3A = tpu.sem_alloc : memref<!tpu.dma_semaphore, #tpu.memory_space<semaphore_mem>>
          %dma_start3A = tpu.memref_slice %arg2[%add3A_32] : memref<184320xf32, #tpu.memory_space<hbm>> -> memref<2048xf32, #tpu.memory_space<hbm>>
          %dma_start3A_59 = tpu.memref_slice %arg2[%add3A_32] : memref<184320xf32, #tpu.memory_space<hbm>> -> memref<2048xf32, #tpu.memory_space<hbm>>
          tpu.enqueue_dma source(%dma_start3A_59 : memref<2048xf32, #tpu.memory_space<hbm>>) target(%arg9 : memref<2048xf32, #tpu.memory_space<vmem>>) target_semaphore(%run_scoped3A : memref<!tpu.dma_semaphore, #tpu.memory_space<semaphore_mem>>)
          %dma_wait3A = tpu.memref_slice %arg2[%add3A_32] : memref<184320xf32, #tpu.memory_space<hbm>> -> memref<2048xf32, #tpu.memory_space<hbm>>
          %dma_wait3A_60 = tpu.memref_slice %arg2[%add3A_32] : memref<184320xf32, #tpu.memory_space<hbm>> -> memref<2048xf32, #tpu.memory_space<hbm>>
          tpu.wait_dma2 semaphore(%run_scoped3A : memref<!tpu.dma_semaphore, #tpu.memory_space<semaphore_mem>>) src(%dma_wait3A_60 : memref<2048xf32, #tpu.memory_space<hbm>>) dst(%arg9 : memref<2048xf32, #tpu.memory_space<vmem>>)
          tpu.yield
        }) : () -> ()
        %mul3A_33 = arith.constant 2048 : i32
        %mul3A_34 = arith.muli %scan3A_15, %mul3A_33 : i32
        %add3A_35 = arith.constant 81920 : i32
        %add3A_36 = arith.addi %add3A_35, %mul3A_34 : i32
        "tpu.region"() ({
          %run_scoped3A = tpu.sem_alloc : memref<!tpu.dma_semaphore, #tpu.memory_space<semaphore_mem>>
          %dma_start3A = tpu.memref_slice %arg2[%add3A_36] : memref<184320xf32, #tpu.memory_space<hbm>> -> memref<2048xf32, #tpu.memory_space<hbm>>
          %dma_start3A_59 = tpu.memref_slice %arg2[%add3A_36] : memref<184320xf32, #tpu.memory_space<hbm>> -> memref<2048xf32, #tpu.memory_space<hbm>>
          tpu.enqueue_dma source(%dma_start3A_59 : memref<2048xf32, #tpu.memory_space<hbm>>) target(%arg10 : memref<2048xf32, #tpu.memory_space<vmem>>) target_semaphore(%run_scoped3A : memref<!tpu.dma_semaphore, #tpu.memory_space<semaphore_mem>>)
          %dma_wait3A = tpu.memref_slice %arg2[%add3A_36] : memref<184320xf32, #tpu.memory_space<hbm>> -> memref<2048xf32, #tpu.memory_space<hbm>>
          %dma_wait3A_60 = tpu.memref_slice %arg2[%add3A_36] : memref<184320xf32, #tpu.memory_space<hbm>> -> memref<2048xf32, #tpu.memory_space<hbm>>
          tpu.wait_dma2 semaphore(%run_scoped3A : memref<!tpu.dma_semaphore, #tpu.memory_space<semaphore_mem>>) src(%dma_wait3A_60 : memref<2048xf32, #tpu.memory_space<hbm>>) dst(%arg10 : memref<2048xf32, #tpu.memory_space<vmem>>)
          tpu.yield
        }) : () -> ()
        %mul3A_37 = arith.constant 2048 : i32
        %mul3A_38 = arith.muli %scan3A_15, %mul3A_37 : i32
        %add3A_39 = arith.constant 102400 : i32
        %add3A_40 = arith.addi %add3A_39, %mul3A_38 : i32
        "tpu.region"() ({
          %run_scoped3A = tpu.sem_alloc : memref<!tpu.dma_semaphore, #tpu.memory_space<semaphore_mem>>
          %dma_start3A = tpu.memref_slice %arg2[%add3A_40] : memref<184320xf32, #tpu.memory_space<hbm>> -> memref<2048xf32, #tpu.memory_space<hbm>>
          %dma_start3A_59 = tpu.memref_slice %arg2[%add3A_40] : memref<184320xf32, #tpu.memory_space<hbm>> -> memref<2048xf32, #tpu.memory_space<hbm>>
          tpu.enqueue_dma source(%dma_start3A_59 : memref<2048xf32, #tpu.memory_space<hbm>>) target(%arg11 : memref<2048xf32, #tpu.memory_space<vmem>>) target_semaphore(%run_scoped3A : memref<!tpu.dma_semaphore, #tpu.memory_space<semaphore_mem>>)
          %dma_wait3A = tpu.memref_slice %arg2[%add3A_40] : memref<184320xf32, #tpu.memory_space<hbm>> -> memref<2048xf32, #tpu.memory_space<hbm>>
          %dma_wait3A_60 = tpu.memref_slice %arg2[%add3A_40] : memref<184320xf32, #tpu.memory_space<hbm>> -> memref<2048xf32, #tpu.memory_space<hbm>>
          tpu.wait_dma2 semaphore(%run_scoped3A : memref<!tpu.dma_semaphore, #tpu.memory_space<semaphore_mem>>) src(%dma_wait3A_60 : memref<2048xf32, #tpu.memory_space<hbm>>) dst(%arg11 : memref<2048xf32, #tpu.memory_space<vmem>>)
          tpu.yield
        }) : () -> ()
        %mul3A_41 = arith.constant 2048 : i32
        %mul3A_42 = arith.muli %scan3A_15, %mul3A_41 : i32
        %add3A_43 = arith.constant 122880 : i32
        %add3A_44 = arith.addi %add3A_43, %mul3A_42 : i32
        "tpu.region"() ({
          %run_scoped3A = tpu.sem_alloc : memref<!tpu.dma_semaphore, #tpu.memory_space<semaphore_mem>>
          %dma_start3A = tpu.memref_slice %arg2[%add3A_44] : memref<184320xf32, #tpu.memory_space<hbm>> -> memref<2048xf32, #tpu.memory_space<hbm>>
          %dma_start3A_59 = tpu.memref_slice %arg2[%add3A_44] : memref<184320xf32, #tpu.memory_space<hbm>> -> memref<2048xf32, #tpu.memory_space<hbm>>
          tpu.enqueue_dma source(%dma_start3A_59 : memref<2048xf32, #tpu.memory_space<hbm>>) target(%arg12 : memref<2048xf32, #tpu.memory_space<vmem>>) target_semaphore(%run_scoped3A : memref<!tpu.dma_semaphore, #tpu.memory_space<semaphore_mem>>)
          %dma_wait3A = tpu.memref_slice %arg2[%add3A_44] : memref<184320xf32, #tpu.memory_space<hbm>> -> memref<2048xf32, #tpu.memory_space<hbm>>
          %dma_wait3A_60 = tpu.memref_slice %arg2[%add3A_44] : memref<184320xf32, #tpu.memory_space<hbm>> -> memref<2048xf32, #tpu.memory_space<hbm>>
          tpu.wait_dma2 semaphore(%run_scoped3A : memref<!tpu.dma_semaphore, #tpu.memory_space<semaphore_mem>>) src(%dma_wait3A_60 : memref<2048xf32, #tpu.memory_space<hbm>>) dst(%arg12 : memref<2048xf32, #tpu.memory_space<vmem>>)
          tpu.yield
        }) : () -> ()
        %mul3A_45 = arith.constant 2048 : i32
        %mul3A_46 = arith.muli %scan3A_15, %mul3A_45 : i32
        %add3A_47 = arith.constant 143360 : i32
        %add3A_48 = arith.addi %add3A_47, %mul3A_46 : i32
        "tpu.region"() ({
          %run_scoped3A = tpu.sem_alloc : memref<!tpu.dma_semaphore, #tpu.memory_space<semaphore_mem>>
          %dma_start3A = tpu.memref_slice %arg2[%add3A_48] : memref<184320xf32, #tpu.memory_space<hbm>> -> memref<2048xf32, #tpu.memory_space<hbm>>
          %dma_start3A_59 = tpu.memref_slice %arg2[%add3A_48] : memref<184320xf32, #tpu.memory_space<hbm>> -> memref<2048xf32, #tpu.memory_space<hbm>>
          tpu.enqueue_dma source(%dma_start3A_59 : memref<2048xf32, #tpu.memory_space<hbm>>) target(%arg13 : memref<2048xf32, #tpu.memory_space<vmem>>) target_semaphore(%run_scoped3A : memref<!tpu.dma_semaphore, #tpu.memory_space<semaphore_mem>>)
          %dma_wait3A = tpu.memref_slice %arg2[%add3A_48] : memref<184320xf32, #tpu.memory_space<hbm>> -> memref<2048xf32, #tpu.memory_space<hbm>>
          %dma_wait3A_60 = tpu.memref_slice %arg2[%add3A_48] : memref<184320xf32, #tpu.memory_space<hbm>> -> memref<2048xf32, #tpu.memory_space<hbm>>
          tpu.wait_dma2 semaphore(%run_scoped3A : memref<!tpu.dma_semaphore, #tpu.memory_space<semaphore_mem>>) src(%dma_wait3A_60 : memref<2048xf32, #tpu.memory_space<hbm>>) dst(%arg13 : memref<2048xf32, #tpu.memory_space<vmem>>)
          tpu.yield
        }) : () -> ()
        %mul3A_49 = arith.constant 2048 : i32
        %mul3A_50 = arith.muli %scan3A_15, %mul3A_49 : i32
        %add3A_51 = arith.constant 163840 : i32
        %add3A_52 = arith.addi %add3A_51, %mul3A_50 : i32
        "tpu.region"() ({
          %run_scoped3A = tpu.sem_alloc : memref<!tpu.dma_semaphore, #tpu.memory_space<semaphore_mem>>
          %dma_start3A = tpu.memref_slice %arg2[%add3A_52] : memref<184320xf32, #tpu.memory_space<hbm>> -> memref<2048xf32, #tpu.memory_space<hbm>>
          %dma_start3A_59 = tpu.memref_slice %arg2[%add3A_52] : memref<184320xf32, #tpu.memory_space<hbm>> -> memref<2048xf32, #tpu.memory_space<hbm>>
          tpu.enqueue_dma source(%dma_start3A_59 : memref<2048xf32, #tpu.memory_space<hbm>>) target(%arg14 : memref<2048xf32, #tpu.memory_space<vmem>>) target_semaphore(%run_scoped3A : memref<!tpu.dma_semaphore, #tpu.memory_space<semaphore_mem>>)
          %dma_wait3A = tpu.memref_slice %arg2[%add3A_52] : memref<184320xf32, #tpu.memory_space<hbm>> -> memref<2048xf32, #tpu.memory_space<hbm>>
          %dma_wait3A_60 = tpu.memref_slice %arg2[%add3A_52] : memref<184320xf32, #tpu.memory_space<hbm>> -> memref<2048xf32, #tpu.memory_space<hbm>>
          tpu.wait_dma2 semaphore(%run_scoped3A : memref<!tpu.dma_semaphore, #tpu.memory_space<semaphore_mem>>) src(%dma_wait3A_60 : memref<2048xf32, #tpu.memory_space<hbm>>) dst(%arg14 : memref<2048xf32, #tpu.memory_space<vmem>>)
          tpu.yield
        }) : () -> ()
        %scan3A_53 = arith.constant 0 : i32
        %scan3A_54 = arith.constant 128 : i32
        %scan3A_55 = arith.addi %scan3A_53, %scan3A_54 : i32
        %scan3A_56 = arith.constant 1 : i32
        %scan3A_57 = scf.for %scan3A_59 = %scan3A_53 to %scan3A_55 step %scan3A_56 iter_args(%scan3A_60 = %scan3A_16) -> (i32)  : i32 {
          %get3A = arith.constant 0 : index
          %get3A_61 = tpu.vector_load %arg5[%get3A] {strides = array<i32>} : memref<32xi32, #tpu.memory_space<vmem>>, vector<16xi32>,
          %get3A_62 = arith.constant 16 : index
          %get3A_63 = tpu.vector_load %arg5[%get3A_62] {strides = array<i32>} : memref<32xi32, #tpu.memory_space<vmem>>, vector<16xi32>,
          %iota3A = tpu.iota {dimensions = array<i32: 0>} : vector<16xi32>
          %mul3A_64 = arith.constant 16 : i32
          %mul3A_65 = arith.muli %scan3A_59, %mul3A_64 : i32
          %get3A_66 = arith.index_cast %mul3A_65 : i32 to index
          %get3A_67 = tpu.vector_load %arg10[%get3A_66] {strides = array<i32>} : memref<2048xf32, #tpu.memory_space<vmem>>, vector<16xf32>,
          %mul3A_68 = arith.constant 16 : i32
          %mul3A_69 = arith.muli %scan3A_59, %mul3A_68 : i32
          %get3A_70 = arith.index_cast %mul3A_69 : i32 to index
          %get3A_71 = tpu.vector_load %arg11[%get3A_70] {strides = array<i32>} : memref<2048xf32, #tpu.memory_space<vmem>>, vector<16xf32>,
          %mul3A_72 = arith.mulf %get3A_67, %get3A_71 : vector<16xf32>
          %gt3A = arith.constant 0.699999988 : f32
          %gt3A_73 = vector.broadcast %gt3A : f32 to vector<16xf32>
          %gt3A_74 = arith.cmpf ogt, %mul3A_72, %gt3A_73 : vector<16xf32>
          %jit3A = arith.constant -1.000000e+00 : f32
          %broadcast_in_dim3A = vector.broadcast %jit3A : f32 to vector<16xf32>
          %select_n3A = arith.select %gt3A_74, %mul3A_72, %broadcast_in_dim3A : vector<16xi1>, vector<16xf32>
          %bitcast_convert_type3A = tpu.bitcast %select_n3A : vector<16xf32> -> vector<16xi32>
          %mul3A_75 = arith.constant 2048 : i32
          %mul3A_76 = arith.muli %scan3A_15, %mul3A_75 : i32
          %mul3A_77 = arith.constant 16 : i32
          %mul3A_78 = arith.muli %scan3A_59, %mul3A_77 : i32
          %add3A_79 = arith.addi %mul3A_76, %mul3A_78 : i32
          %add3A_80 = vector.broadcast %add3A_79 : i32 to vector<16xi32>
          %add3A_81 = arith.addi %add3A_80, %iota3A : vector<16xi32>
          %gt3A_82 = arith.cmpi sgt, %bitcast_convert_type3A, %get3A_61 : vector<16xi32>
          %eq3A_83 = arith.cmpi eq, %bitcast_convert_type3A, %get3A_61 : vector<16xi32>
          %le3A = arith.cmpi sle, %add3A_81, %get3A_63 : vector<16xi32>
          %and3A = arith.andi %eq3A_83, %le3A : vector<16xi1>
          %or3A = arith.ori %gt3A_82, %and3A : vector<16xi1>
          %all_reduce_population_count3A = tpu.all_reduce %or3A {dim = 0 : i64, kind = #tpu.reduction_kind<sum>} : vector<16xi1> -> vector<16xi32>
          %slice3A = vector.extract_strided_slice %all_reduce_population_count3A {offsets = [0], sizes = [1], strides = [1]} : vector<16xi32> to vector<1xi32>
          %squeeze3A = vector.extract %slice3A[0] : i32 from vector<1xi32>
          %mul3A_84 = arith.constant 16 : i32
          %mul3A_85 = arith.muli %scan3A_59, %mul3A_84 : i32
          %get3A_86 = arith.index_cast %mul3A_85 : i32 to index
          %get3A_87 = tpu.vector_load %arg6[%get3A_86] {strides = array<i32>} : memref<2048xf32, #tpu.memory_space<vmem>>, vector<16xf32>,
          %swap3A = arith.index_cast %scan3A_60 : i32 to index
          %swap3A_88 = tpu.vector_load %arg15[%swap3A] masked %or3A {strides = array<i32>} : memref<1056xf32, #tpu.memory_space<vmem>>, vector<16xf32>, vector<16xi1>
          tpu.vector_store %arg15[%swap3A], %get3A_87 masked %or3A {strides = array<i32>} : memref<1056xf32, #tpu.memory_space<vmem>>, vector<16xf32>, vector<16xi1>
          %mul3A_89 = arith.constant 16 : i32
          %mul3A_90 = arith.muli %scan3A_59, %mul3A_89 : i32
          %get3A_91 = arith.index_cast %mul3A_90 : i32 to index
          %get3A_92 = tpu.vector_load %arg7[%get3A_91] {strides = array<i32>} : memref<2048xf32, #tpu.memory_space<vmem>>, vector<16xf32>,
          %swap3A_93 = arith.index_cast %scan3A_60 : i32 to index
          %swap3A_94 = tpu.vector_load %arg16[%swap3A_93] masked %or3A {strides = array<i32>} : memref<1056xf32, #tpu.memory_space<vmem>>, vector<16xf32>, vector<16xi1>
          tpu.vector_store %arg16[%swap3A_93], %get3A_92 masked %or3A {strides = array<i32>} : memref<1056xf32, #tpu.memory_space<vmem>>, vector<16xf32>, vector<16xi1>
          %mul3A_95 = arith.constant 16 : i32
          %mul3A_96 = arith.muli %scan3A_59, %mul3A_95 : i32
          %get3A_97 = arith.index_cast %mul3A_96 : i32 to index
          %get3A_98 = tpu.vector_load %arg8[%get3A_97] {strides = array<i32>} : memref<2048xf32, #tpu.memory_space<vmem>>, vector<16xf32>,
          %swap3A_99 = arith.index_cast %scan3A_60 : i32 to index
          %swap3A_100 = tpu.vector_load %arg17[%swap3A_99] masked %or3A {strides = array<i32>} : memref<1056xf32, #tpu.memory_space<vmem>>, vector<16xf32>, vector<16xi1>
          tpu.vector_store %arg17[%swap3A_99], %get3A_98 masked %or3A {strides = array<i32>} : memref<1056xf32, #tpu.memory_space<vmem>>, vector<16xf32>, vector<16xi1>
          %mul3A_101 = arith.constant 16 : i32
          %mul3A_102 = arith.muli %scan3A_59, %mul3A_101 : i32
          %get3A_103 = arith.index_cast %mul3A_102 : i32 to index
          %get3A_104 = tpu.vector_load %arg9[%get3A_103] {strides = array<i32>} : memref<2048xf32, #tpu.memory_space<vmem>>, vector<16xf32>,
          %swap3A_105 = arith.index_cast %scan3A_60 : i32 to index
          %swap3A_106 = tpu.vector_load %arg18[%swap3A_105] masked %or3A {strides = array<i32>} : memref<1056xf32, #tpu.memory_space<vmem>>, vector<16xf32>, vector<16xi1>
          tpu.vector_store %arg18[%swap3A_105], %get3A_104 masked %or3A {strides = array<i32>} : memref<1056xf32, #tpu.memory_space<vmem>>, vector<16xf32>, vector<16xi1>
          %mul3A_107 = arith.constant 16 : i32
          %mul3A_108 = arith.muli %scan3A_59, %mul3A_107 : i32
          %get3A_109 = arith.index_cast %mul3A_108 : i32 to index
          %get3A_110 = tpu.vector_load %arg10[%get3A_109] {strides = array<i32>} : memref<2048xf32, #tpu.memory_space<vmem>>, vector<16xf32>,
          %swap3A_111 = arith.index_cast %scan3A_60 : i32 to index
          %swap3A_112 = tpu.vector_load %arg19[%swap3A_111] masked %or3A {strides = array<i32>} : memref<1056xf32, #tpu.memory_space<vmem>>, vector<16xf32>, vector<16xi1>
          tpu.vector_store %arg19[%swap3A_111], %get3A_110 masked %or3A {strides = array<i32>} : memref<1056xf32, #tpu.memory_space<vmem>>, vector<16xf32>, vector<16xi1>
          %mul3A_113 = arith.constant 16 : i32
          %mul3A_114 = arith.muli %scan3A_59, %mul3A_113 : i32
          %get3A_115 = arith.index_cast %mul3A_114 : i32 to index
          %get3A_116 = tpu.vector_load %arg11[%get3A_115] {strides = array<i32>} : memref<2048xf32, #tpu.memory_space<vmem>>, vector<16xf32>,
          %swap3A_117 = arith.index_cast %scan3A_60 : i32 to index
          %swap3A_118 = tpu.vector_load %arg20[%swap3A_117] masked %or3A {strides = array<i32>} : memref<1056xf32, #tpu.memory_space<vmem>>, vector<16xf32>, vector<16xi1>
          tpu.vector_store %arg20[%swap3A_117], %get3A_116 masked %or3A {strides = array<i32>} : memref<1056xf32, #tpu.memory_space<vmem>>, vector<16xf32>, vector<16xi1>
          %mul3A_119 = arith.constant 16 : i32
          %mul3A_120 = arith.muli %scan3A_59, %mul3A_119 : i32
          %get3A_121 = arith.index_cast %mul3A_120 : i32 to index
          %get3A_122 = tpu.vector_load %arg12[%get3A_121] {strides = array<i32>} : memref<2048xf32, #tpu.memory_space<vmem>>, vector<16xf32>,
          %swap3A_123 = arith.index_cast %scan3A_60 : i32 to index
          %swap3A_124 = tpu.vector_load %arg21[%swap3A_123] masked %or3A {strides = array<i32>} : memref<1056xf32, #tpu.memory_space<vmem>>, vector<16xf32>, vector<16xi1>
          tpu.vector_store %arg21[%swap3A_123], %get3A_122 masked %or3A {strides = array<i32>} : memref<1056xf32, #tpu.memory_space<vmem>>, vector<16xf32>, vector<16xi1>
          %mul3A_125 = arith.constant 16 : i32
          %mul3A_126 = arith.muli %scan3A_59, %mul3A_125 : i32
          %get3A_127 = arith.index_cast %mul3A_126 : i32 to index
          %get3A_128 = tpu.vector_load %arg13[%get3A_127] {strides = array<i32>} : memref<2048xf32, #tpu.memory_space<vmem>>, vector<16xf32>,
          %swap3A_129 = arith.index_cast %scan3A_60 : i32 to index
          %swap3A_130 = tpu.vector_load %arg22[%swap3A_129] masked %or3A {strides = array<i32>} : memref<1056xf32, #tpu.memory_space<vmem>>, vector<16xf32>, vector<16xi1>
          tpu.vector_store %arg22[%swap3A_129], %get3A_128 masked %or3A {strides = array<i32>} : memref<1056xf32, #tpu.memory_space<vmem>>, vector<16xf32>, vector<16xi1>
          %mul3A_131 = arith.constant 16 : i32
          %mul3A_132 = arith.muli %scan3A_59, %mul3A_131 : i32
          %get3A_133 = arith.index_cast %mul3A_132 : i32 to index
          %get3A_134 = tpu.vector_load %arg14[%get3A_133] {strides = array<i32>} : memref<2048xf32, #tpu.memory_space<vmem>>, vector<16xf32>,
          %swap3A_135 = arith.index_cast %scan3A_60 : i32 to index
          %swap3A_136 = tpu.vector_load %arg23[%swap3A_135] masked %or3A {strides = array<i32>} : memref<1056xf32, #tpu.memory_space<vmem>>, vector<16xf32>, vector<16xi1>
          tpu.vector_store %arg23[%swap3A_135], %get3A_134 masked %or3A {strides = array<i32>} : memref<1056xf32, #tpu.memory_space<vmem>>, vector<16xf32>, vector<16xi1>
          %add3A_137 = arith.addi %scan3A_60, %squeeze3A : i32
          %min3A = arith.constant 1024 : i32
          %min3A_138 = arith.minsi %add3A_137, %min3A : i32
          scf.yield %min3A_138 : i32
        }
        %scan3A_58 = arith.constant 128 : i32
        scf.yield %scan3A_57 : i32
      }
      %scan3A_14 = arith.constant 10 : i32
      "tpu.region"() ({
        %run_scoped3A = tpu.sem_alloc : memref<!tpu.dma_semaphore, #tpu.memory_space<semaphore_mem>>
        %dma_start3A = arith.constant 0 : i32
        %dma_start3A_15 = tpu.memref_slice %arg15[%dma_start3A] : memref<1056xf32, #tpu.memory_space<vmem>> -> memref<1024xf32, #tpu.memory_space<vmem>>
        %dma_start3A_16 = arith.constant 0 : i32
        %dma_start3A_17 = tpu.memref_slice %arg4[%dma_start3A_16] : memref<9216xf32, #tpu.memory_space<hbm>> -> memref<1024xf32, #tpu.memory_space<hbm>>
        %dma_start3A_18 = arith.constant 0 : i32
        %dma_start3A_19 = tpu.memref_slice %arg4[%dma_start3A_18] : memref<9216xf32, #tpu.memory_space<hbm>> -> memref<1024xf32, #tpu.memory_space<hbm>>
        %dma_start3A_20 = arith.constant 0 : i32
        %dma_start3A_21 = tpu.memref_slice %arg15[%dma_start3A_20] : memref<1056xf32, #tpu.memory_space<vmem>> -> memref<1024xf32, #tpu.memory_space<vmem>>
        tpu.enqueue_dma source(%dma_start3A_21 : memref<1024xf32, #tpu.memory_space<vmem>>) target(%dma_start3A_19 : memref<1024xf32, #tpu.memory_space<hbm>>) target_semaphore(%run_scoped3A : memref<!tpu.dma_semaphore, #tpu.memory_space<semaphore_mem>>)
        %dma_wait3A = arith.constant 0 : i32
        %dma_wait3A_22 = tpu.memref_slice %arg15[%dma_wait3A] : memref<1056xf32, #tpu.memory_space<vmem>> -> memref<1024xf32, #tpu.memory_space<vmem>>
        %dma_wait3A_23 = arith.constant 0 : i32
        %dma_wait3A_24 = tpu.memref_slice %arg4[%dma_wait3A_23] : memref<9216xf32, #tpu.memory_space<hbm>> -> memref<1024xf32, #tpu.memory_space<hbm>>
        %dma_wait3A_25 = arith.constant 0 : i32
        %dma_wait3A_26 = tpu.memref_slice %arg4[%dma_wait3A_25] : memref<9216xf32, #tpu.memory_space<hbm>> -> memref<1024xf32, #tpu.memory_space<hbm>>
        %dma_wait3A_27 = arith.constant 0 : i32
        %dma_wait3A_28 = tpu.memref_slice %arg15[%dma_wait3A_27] : memref<1056xf32, #tpu.memory_space<vmem>> -> memref<1024xf32, #tpu.memory_space<vmem>>
        tpu.wait_dma2 semaphore(%run_scoped3A : memref<!tpu.dma_semaphore, #tpu.memory_space<semaphore_mem>>) src(%dma_wait3A_28 : memref<1024xf32, #tpu.memory_space<vmem>>) dst(%dma_wait3A_26 : memref<1024xf32, #tpu.memory_space<hbm>>)
        tpu.yield
      }) : () -> ()
      "tpu.region"() ({
        %run_scoped3A = tpu.sem_alloc : memref<!tpu.dma_semaphore, #tpu.memory_space<semaphore_mem>>
        %dma_start3A = arith.constant 0 : i32
        %dma_start3A_15 = tpu.memref_slice %arg16[%dma_start3A] : memref<1056xf32, #tpu.memory_space<vmem>> -> memref<1024xf32, #tpu.memory_space<vmem>>
        %dma_start3A_16 = arith.constant 1024 : i32
        %dma_start3A_17 = tpu.memref_slice %arg4[%dma_start3A_16] : memref<9216xf32, #tpu.memory_space<hbm>> -> memref<1024xf32, #tpu.memory_space<hbm>>
        %dma_start3A_18 = arith.constant 1024 : i32
        %dma_start3A_19 = tpu.memref_slice %arg4[%dma_start3A_18] : memref<9216xf32, #tpu.memory_space<hbm>> -> memref<1024xf32, #tpu.memory_space<hbm>>
        %dma_start3A_20 = arith.constant 0 : i32
        %dma_start3A_21 = tpu.memref_slice %arg16[%dma_start3A_20] : memref<1056xf32, #tpu.memory_space<vmem>> -> memref<1024xf32, #tpu.memory_space<vmem>>
        tpu.enqueue_dma source(%dma_start3A_21 : memref<1024xf32, #tpu.memory_space<vmem>>) target(%dma_start3A_19 : memref<1024xf32, #tpu.memory_space<hbm>>) target_semaphore(%run_scoped3A : memref<!tpu.dma_semaphore, #tpu.memory_space<semaphore_mem>>)
        %dma_wait3A = arith.constant 0 : i32
        %dma_wait3A_22 = tpu.memref_slice %arg16[%dma_wait3A] : memref<1056xf32, #tpu.memory_space<vmem>> -> memref<1024xf32, #tpu.memory_space<vmem>>
        %dma_wait3A_23 = arith.constant 1024 : i32
        %dma_wait3A_24 = tpu.memref_slice %arg4[%dma_wait3A_23] : memref<9216xf32, #tpu.memory_space<hbm>> -> memref<1024xf32, #tpu.memory_space<hbm>>
        %dma_wait3A_25 = arith.constant 1024 : i32
        %dma_wait3A_26 = tpu.memref_slice %arg4[%dma_wait3A_25] : memref<9216xf32, #tpu.memory_space<hbm>> -> memref<1024xf32, #tpu.memory_space<hbm>>
        %dma_wait3A_27 = arith.constant 0 : i32
        %dma_wait3A_28 = tpu.memref_slice %arg16[%dma_wait3A_27] : memref<1056xf32, #tpu.memory_space<vmem>> -> memref<1024xf32, #tpu.memory_space<vmem>>
        tpu.wait_dma2 semaphore(%run_scoped3A : memref<!tpu.dma_semaphore, #tpu.memory_space<semaphore_mem>>) src(%dma_wait3A_28 : memref<1024xf32, #tpu.memory_space<vmem>>) dst(%dma_wait3A_26 : memref<1024xf32, #tpu.memory_space<hbm>>)
        tpu.yield
      }) : () -> ()
      "tpu.region"() ({
        %run_scoped3A = tpu.sem_alloc : memref<!tpu.dma_semaphore, #tpu.memory_space<semaphore_mem>>
        %dma_start3A = arith.constant 0 : i32
        %dma_start3A_15 = tpu.memref_slice %arg17[%dma_start3A] : memref<1056xf32, #tpu.memory_space<vmem>> -> memref<1024xf32, #tpu.memory_space<vmem>>
        %dma_start3A_16 = arith.constant 2048 : i32
        %dma_start3A_17 = tpu.memref_slice %arg4[%dma_start3A_16] : memref<9216xf32, #tpu.memory_space<hbm>> -> memref<1024xf32, #tpu.memory_space<hbm>>
        %dma_start3A_18 = arith.constant 2048 : i32
        %dma_start3A_19 = tpu.memref_slice %arg4[%dma_start3A_18] : memref<9216xf32, #tpu.memory_space<hbm>> -> memref<1024xf32, #tpu.memory_space<hbm>>
        %dma_start3A_20 = arith.constant 0 : i32
        %dma_start3A_21 = tpu.memref_slice %arg17[%dma_start3A_20] : memref<1056xf32, #tpu.memory_space<vmem>> -> memref<1024xf32, #tpu.memory_space<vmem>>
        tpu.enqueue_dma source(%dma_start3A_21 : memref<1024xf32, #tpu.memory_space<vmem>>) target(%dma_start3A_19 : memref<1024xf32, #tpu.memory_space<hbm>>) target_semaphore(%run_scoped3A : memref<!tpu.dma_semaphore, #tpu.memory_space<semaphore_mem>>)
        %dma_wait3A = arith.constant 0 : i32
        %dma_wait3A_22 = tpu.memref_slice %arg17[%dma_wait3A] : memref<1056xf32, #tpu.memory_space<vmem>> -> memref<1024xf32, #tpu.memory_space<vmem>>
        %dma_wait3A_23 = arith.constant 2048 : i32
        %dma_wait3A_24 = tpu.memref_slice %arg4[%dma_wait3A_23] : memref<9216xf32, #tpu.memory_space<hbm>> -> memref<1024xf32, #tpu.memory_space<hbm>>
        %dma_wait3A_25 = arith.constant 2048 : i32
        %dma_wait3A_26 = tpu.memref_slice %arg4[%dma_wait3A_25] : memref<9216xf32, #tpu.memory_space<hbm>> -> memref<1024xf32, #tpu.memory_space<hbm>>
        %dma_wait3A_27 = arith.constant 0 : i32
        %dma_wait3A_28 = tpu.memref_slice %arg17[%dma_wait3A_27] : memref<1056xf32, #tpu.memory_space<vmem>> -> memref<1024xf32, #tpu.memory_space<vmem>>
        tpu.wait_dma2 semaphore(%run_scoped3A : memref<!tpu.dma_semaphore, #tpu.memory_space<semaphore_mem>>) src(%dma_wait3A_28 : memref<1024xf32, #tpu.memory_space<vmem>>) dst(%dma_wait3A_26 : memref<1024xf32, #tpu.memory_space<hbm>>)
        tpu.yield
      }) : () -> ()
      "tpu.region"() ({
        %run_scoped3A = tpu.sem_alloc : memref<!tpu.dma_semaphore, #tpu.memory_space<semaphore_mem>>
        %dma_start3A = arith.constant 0 : i32
        %dma_start3A_15 = tpu.memref_slice %arg18[%dma_start3A] : memref<1056xf32, #tpu.memory_space<vmem>> -> memref<1024xf32, #tpu.memory_space<vmem>>
        %dma_start3A_16 = arith.constant 3072 : i32
        %dma_start3A_17 = tpu.memref_slice %arg4[%dma_start3A_16] : memref<9216xf32, #tpu.memory_space<hbm>> -> memref<1024xf32, #tpu.memory_space<hbm>>
        %dma_start3A_18 = arith.constant 3072 : i32
        %dma_start3A_19 = tpu.memref_slice %arg4[%dma_start3A_18] : memref<9216xf32, #tpu.memory_space<hbm>> -> memref<1024xf32, #tpu.memory_space<hbm>>
        %dma_start3A_20 = arith.constant 0 : i32
        %dma_start3A_21 = tpu.memref_slice %arg18[%dma_start3A_20] : memref<1056xf32, #tpu.memory_space<vmem>> -> memref<1024xf32, #tpu.memory_space<vmem>>
        tpu.enqueue_dma source(%dma_start3A_21 : memref<1024xf32, #tpu.memory_space<vmem>>) target(%dma_start3A_19 : memref<1024xf32, #tpu.memory_space<hbm>>) target_semaphore(%run_scoped3A : memref<!tpu.dma_semaphore, #tpu.memory_space<semaphore_mem>>)
        %dma_wait3A = arith.constant 0 : i32
        %dma_wait3A_22 = tpu.memref_slice %arg18[%dma_wait3A] : memref<1056xf32, #tpu.memory_space<vmem>> -> memref<1024xf32, #tpu.memory_space<vmem>>
        %dma_wait3A_23 = arith.constant 3072 : i32
        %dma_wait3A_24 = tpu.memref_slice %arg4[%dma_wait3A_23] : memref<9216xf32, #tpu.memory_space<hbm>> -> memref<1024xf32, #tpu.memory_space<hbm>>
        %dma_wait3A_25 = arith.constant 3072 : i32
        %dma_wait3A_26 = tpu.memref_slice %arg4[%dma_wait3A_25] : memref<9216xf32, #tpu.memory_space<hbm>> -> memref<1024xf32, #tpu.memory_space<hbm>>
        %dma_wait3A_27 = arith.constant 0 : i32
        %dma_wait3A_28 = tpu.memref_slice %arg18[%dma_wait3A_27] : memref<1056xf32, #tpu.memory_space<vmem>> -> memref<1024xf32, #tpu.memory_space<vmem>>
        tpu.wait_dma2 semaphore(%run_scoped3A : memref<!tpu.dma_semaphore, #tpu.memory_space<semaphore_mem>>) src(%dma_wait3A_28 : memref<1024xf32, #tpu.memory_space<vmem>>) dst(%dma_wait3A_26 : memref<1024xf32, #tpu.memory_space<hbm>>)
        tpu.yield
      }) : () -> ()
      "tpu.region"() ({
        %run_scoped3A = tpu.sem_alloc : memref<!tpu.dma_semaphore, #tpu.memory_space<semaphore_mem>>
        %dma_start3A = arith.constant 0 : i32
        %dma_start3A_15 = tpu.memref_slice %arg19[%dma_start3A] : memref<1056xf32, #tpu.memory_space<vmem>> -> memref<1024xf32, #tpu.memory_space<vmem>>
        %dma_start3A_16 = arith.constant 4096 : i32
        %dma_start3A_17 = tpu.memref_slice %arg4[%dma_start3A_16] : memref<9216xf32, #tpu.memory_space<hbm>> -> memref<1024xf32, #tpu.memory_space<hbm>>
        %dma_start3A_18 = arith.constant 4096 : i32
        %dma_start3A_19 = tpu.memref_slice %arg4[%dma_start3A_18] : memref<9216xf32, #tpu.memory_space<hbm>> -> memref<1024xf32, #tpu.memory_space<hbm>>
        %dma_start3A_20 = arith.constant 0 : i32
        %dma_start3A_21 = tpu.memref_slice %arg19[%dma_start3A_20] : memref<1056xf32, #tpu.memory_space<vmem>> -> memref<1024xf32, #tpu.memory_space<vmem>>
        tpu.enqueue_dma source(%dma_start3A_21 : memref<1024xf32, #tpu.memory_space<vmem>>) target(%dma_start3A_19 : memref<1024xf32, #tpu.memory_space<hbm>>) target_semaphore(%run_scoped3A : memref<!tpu.dma_semaphore, #tpu.memory_space<semaphore_mem>>)
        %dma_wait3A = arith.constant 0 : i32
        %dma_wait3A_22 = tpu.memref_slice %arg19[%dma_wait3A] : memref<1056xf32, #tpu.memory_space<vmem>> -> memref<1024xf32, #tpu.memory_space<vmem>>
        %dma_wait3A_23 = arith.constant 4096 : i32
        %dma_wait3A_24 = tpu.memref_slice %arg4[%dma_wait3A_23] : memref<9216xf32, #tpu.memory_space<hbm>> -> memref<1024xf32, #tpu.memory_space<hbm>>
        %dma_wait3A_25 = arith.constant 4096 : i32
        %dma_wait3A_26 = tpu.memref_slice %arg4[%dma_wait3A_25] : memref<9216xf32, #tpu.memory_space<hbm>> -> memref<1024xf32, #tpu.memory_space<hbm>>
        %dma_wait3A_27 = arith.constant 0 : i32
        %dma_wait3A_28 = tpu.memref_slice %arg19[%dma_wait3A_27] : memref<1056xf32, #tpu.memory_space<vmem>> -> memref<1024xf32, #tpu.memory_space<vmem>>
        tpu.wait_dma2 semaphore(%run_scoped3A : memref<!tpu.dma_semaphore, #tpu.memory_space<semaphore_mem>>) src(%dma_wait3A_28 : memref<1024xf32, #tpu.memory_space<vmem>>) dst(%dma_wait3A_26 : memref<1024xf32, #tpu.memory_space<hbm>>)
        tpu.yield
      }) : () -> ()
      "tpu.region"() ({
        %run_scoped3A = tpu.sem_alloc : memref<!tpu.dma_semaphore, #tpu.memory_space<semaphore_mem>>
        %dma_start3A = arith.constant 0 : i32
        %dma_start3A_15 = tpu.memref_slice %arg20[%dma_start3A] : memref<1056xf32, #tpu.memory_space<vmem>> -> memref<1024xf32, #tpu.memory_space<vmem>>
        %dma_start3A_16 = arith.constant 5120 : i32
        %dma_start3A_17 = tpu.memref_slice %arg4[%dma_start3A_16] : memref<9216xf32, #tpu.memory_space<hbm>> -> memref<1024xf32, #tpu.memory_space<hbm>>
        %dma_start3A_18 = arith.constant 5120 : i32
        %dma_start3A_19 = tpu.memref_slice %arg4[%dma_start3A_18] : memref<9216xf32, #tpu.memory_space<hbm>> -> memref<1024xf32, #tpu.memory_space<hbm>>
        %dma_start3A_20 = arith.constant 0 : i32
        %dma_start3A_21 = tpu.memref_slice %arg20[%dma_start3A_20] : memref<1056xf32, #tpu.memory_space<vmem>> -> memref<1024xf32, #tpu.memory_space<vmem>>
        tpu.enqueue_dma source(%dma_start3A_21 : memref<1024xf32, #tpu.memory_space<vmem>>) target(%dma_start3A_19 : memref<1024xf32, #tpu.memory_space<hbm>>) target_semaphore(%run_scoped3A : memref<!tpu.dma_semaphore, #tpu.memory_space<semaphore_mem>>)
        %dma_wait3A = arith.constant 0 : i32
        %dma_wait3A_22 = tpu.memref_slice %arg20[%dma_wait3A] : memref<1056xf32, #tpu.memory_space<vmem>> -> memref<1024xf32, #tpu.memory_space<vmem>>
        %dma_wait3A_23 = arith.constant 5120 : i32
        %dma_wait3A_24 = tpu.memref_slice %arg4[%dma_wait3A_23] : memref<9216xf32, #tpu.memory_space<hbm>> -> memref<1024xf32, #tpu.memory_space<hbm>>
        %dma_wait3A_25 = arith.constant 5120 : i32
        %dma_wait3A_26 = tpu.memref_slice %arg4[%dma_wait3A_25] : memref<9216xf32, #tpu.memory_space<hbm>> -> memref<1024xf32, #tpu.memory_space<hbm>>
        %dma_wait3A_27 = arith.constant 0 : i32
        %dma_wait3A_28 = tpu.memref_slice %arg20[%dma_wait3A_27] : memref<1056xf32, #tpu.memory_space<vmem>> -> memref<1024xf32, #tpu.memory_space<vmem>>
        tpu.wait_dma2 semaphore(%run_scoped3A : memref<!tpu.dma_semaphore, #tpu.memory_space<semaphore_mem>>) src(%dma_wait3A_28 : memref<1024xf32, #tpu.memory_space<vmem>>) dst(%dma_wait3A_26 : memref<1024xf32, #tpu.memory_space<hbm>>)
        tpu.yield
      }) : () -> ()
      "tpu.region"() ({
        %run_scoped3A = tpu.sem_alloc : memref<!tpu.dma_semaphore, #tpu.memory_space<semaphore_mem>>
        %dma_start3A = arith.constant 0 : i32
        %dma_start3A_15 = tpu.memref_slice %arg21[%dma_start3A] : memref<1056xf32, #tpu.memory_space<vmem>> -> memref<1024xf32, #tpu.memory_space<vmem>>
        %dma_start3A_16 = arith.constant 6144 : i32
        %dma_start3A_17 = tpu.memref_slice %arg4[%dma_start3A_16] : memref<9216xf32, #tpu.memory_space<hbm>> -> memref<1024xf32, #tpu.memory_space<hbm>>
        %dma_start3A_18 = arith.constant 6144 : i32
        %dma_start3A_19 = tpu.memref_slice %arg4[%dma_start3A_18] : memref<9216xf32, #tpu.memory_space<hbm>> -> memref<1024xf32, #tpu.memory_space<hbm>>
        %dma_start3A_20 = arith.constant 0 : i32
        %dma_start3A_21 = tpu.memref_slice %arg21[%dma_start3A_20] : memref<1056xf32, #tpu.memory_space<vmem>> -> memref<1024xf32, #tpu.memory_space<vmem>>
        tpu.enqueue_dma source(%dma_start3A_21 : memref<1024xf32, #tpu.memory_space<vmem>>) target(%dma_start3A_19 : memref<1024xf32, #tpu.memory_space<hbm>>) target_semaphore(%run_scoped3A : memref<!tpu.dma_semaphore, #tpu.memory_space<semaphore_mem>>)
        %dma_wait3A = arith.constant 0 : i32
        %dma_wait3A_22 = tpu.memref_slice %arg21[%dma_wait3A] : memref<1056xf32, #tpu.memory_space<vmem>> -> memref<1024xf32, #tpu.memory_space<vmem>>
        %dma_wait3A_23 = arith.constant 6144 : i32
        %dma_wait3A_24 = tpu.memref_slice %arg4[%dma_wait3A_23] : memref<9216xf32, #tpu.memory_space<hbm>> -> memref<1024xf32, #tpu.memory_space<hbm>>
        %dma_wait3A_25 = arith.constant 6144 : i32
        %dma_wait3A_26 = tpu.memref_slice %arg4[%dma_wait3A_25] : memref<9216xf32, #tpu.memory_space<hbm>> -> memref<1024xf32, #tpu.memory_space<hbm>>
        %dma_wait3A_27 = arith.constant 0 : i32
        %dma_wait3A_28 = tpu.memref_slice %arg21[%dma_wait3A_27] : memref<1056xf32, #tpu.memory_space<vmem>> -> memref<1024xf32, #tpu.memory_space<vmem>>
        tpu.wait_dma2 semaphore(%run_scoped3A : memref<!tpu.dma_semaphore, #tpu.memory_space<semaphore_mem>>) src(%dma_wait3A_28 : memref<1024xf32, #tpu.memory_space<vmem>>) dst(%dma_wait3A_26 : memref<1024xf32, #tpu.memory_space<hbm>>)
        tpu.yield
      }) : () -> ()
      "tpu.region"() ({
        %run_scoped3A = tpu.sem_alloc : memref<!tpu.dma_semaphore, #tpu.memory_space<semaphore_mem>>
        %dma_start3A = arith.constant 0 : i32
        %dma_start3A_15 = tpu.memref_slice %arg22[%dma_start3A] : memref<1056xf32, #tpu.memory_space<vmem>> -> memref<1024xf32, #tpu.memory_space<vmem>>
        %dma_start3A_16 = arith.constant 7168 : i32
        %dma_start3A_17 = tpu.memref_slice %arg4[%dma_start3A_16] : memref<9216xf32, #tpu.memory_space<hbm>> -> memref<1024xf32, #tpu.memory_space<hbm>>
        %dma_start3A_18 = arith.constant 7168 : i32
        %dma_start3A_19 = tpu.memref_slice %arg4[%dma_start3A_18] : memref<9216xf32, #tpu.memory_space<hbm>> -> memref<1024xf32, #tpu.memory_space<hbm>>
        %dma_start3A_20 = arith.constant 0 : i32
        %dma_start3A_21 = tpu.memref_slice %arg22[%dma_start3A_20] : memref<1056xf32, #tpu.memory_space<vmem>> -> memref<1024xf32, #tpu.memory_space<vmem>>
        tpu.enqueue_dma source(%dma_start3A_21 : memref<1024xf32, #tpu.memory_space<vmem>>) target(%dma_start3A_19 : memref<1024xf32, #tpu.memory_space<hbm>>) target_semaphore(%run_scoped3A : memref<!tpu.dma_semaphore, #tpu.memory_space<semaphore_mem>>)
        %dma_wait3A = arith.constant 0 : i32
        %dma_wait3A_22 = tpu.memref_slice %arg22[%dma_wait3A] : memref<1056xf32, #tpu.memory_space<vmem>> -> memref<1024xf32, #tpu.memory_space<vmem>>
        %dma_wait3A_23 = arith.constant 7168 : i32
        %dma_wait3A_24 = tpu.memref_slice %arg4[%dma_wait3A_23] : memref<9216xf32, #tpu.memory_space<hbm>> -> memref<1024xf32, #tpu.memory_space<hbm>>
        %dma_wait3A_25 = arith.constant 7168 : i32
        %dma_wait3A_26 = tpu.memref_slice %arg4[%dma_wait3A_25] : memref<9216xf32, #tpu.memory_space<hbm>> -> memref<1024xf32, #tpu.memory_space<hbm>>
        %dma_wait3A_27 = arith.constant 0 : i32
        %dma_wait3A_28 = tpu.memref_slice %arg22[%dma_wait3A_27] : memref<1056xf32, #tpu.memory_space<vmem>> -> memref<1024xf32, #tpu.memory_space<vmem>>
        tpu.wait_dma2 semaphore(%run_scoped3A : memref<!tpu.dma_semaphore, #tpu.memory_space<semaphore_mem>>) src(%dma_wait3A_28 : memref<1024xf32, #tpu.memory_space<vmem>>) dst(%dma_wait3A_26 : memref<1024xf32, #tpu.memory_space<hbm>>)
        tpu.yield
      }) : () -> ()
      "tpu.region"() ({
        %run_scoped3A = tpu.sem_alloc : memref<!tpu.dma_semaphore, #tpu.memory_space<semaphore_mem>>
        %dma_start3A = arith.constant 0 : i32
        %dma_start3A_15 = tpu.memref_slice %arg23[%dma_start3A] : memref<1056xf32, #tpu.memory_space<vmem>> -> memref<1024xf32, #tpu.memory_space<vmem>>
        %dma_start3A_16 = arith.constant 8192 : i32
        %dma_start3A_17 = tpu.memref_slice %arg4[%dma_start3A_16] : memref<9216xf32, #tpu.memory_space<hbm>> -> memref<1024xf32, #tpu.memory_space<hbm>>
        %dma_start3A_18 = arith.constant 8192 : i32
        %dma_start3A_19 = tpu.memref_slice %arg4[%dma_start3A_18] : memref<9216xf32, #tpu.memory_space<hbm>> -> memref<1024xf32, #tpu.memory_space<hbm>>
        %dma_start3A_20 = arith.constant 0 : i32
        %dma_start3A_21 = tpu.memref_slice %arg23[%dma_start3A_20] : memref<1056xf32, #tpu.memory_space<vmem>> -> memref<1024xf32, #tpu.memory_space<vmem>>
        tpu.enqueue_dma source(%dma_start3A_21 : memref<1024xf32, #tpu.memory_space<vmem>>) target(%dma_start3A_19 : memref<1024xf32, #tpu.memory_space<hbm>>) target_semaphore(%run_scoped3A : memref<!tpu.dma_semaphore, #tpu.memory_space<semaphore_mem>>)
        %dma_wait3A = arith.constant 0 : i32
        %dma_wait3A_22 = tpu.memref_slice %arg23[%dma_wait3A] : memref<1056xf32, #tpu.memory_space<vmem>> -> memref<1024xf32, #tpu.memory_space<vmem>>
        %dma_wait3A_23 = arith.constant 8192 : i32
        %dma_wait3A_24 = tpu.memref_slice %arg4[%dma_wait3A_23] : memref<9216xf32, #tpu.memory_space<hbm>> -> memref<1024xf32, #tpu.memory_space<hbm>>
        %dma_wait3A_25 = arith.constant 8192 : i32
        %dma_wait3A_26 = tpu.memref_slice %arg4[%dma_wait3A_25] : memref<9216xf32, #tpu.memory_space<hbm>> -> memref<1024xf32, #tpu.memory_space<hbm>>
        %dma_wait3A_27 = arith.constant 0 : i32
        %dma_wait3A_28 = tpu.memref_slice %arg23[%dma_wait3A_27] : memref<1056xf32, #tpu.memory_space<vmem>> -> memref<1024xf32, #tpu.memory_space<vmem>>
        tpu.wait_dma2 semaphore(%run_scoped3A : memref<!tpu.dma_semaphore, #tpu.memory_space<semaphore_mem>>) src(%dma_wait3A_28 : memref<1024xf32, #tpu.memory_space<vmem>>) dst(%dma_wait3A_26 : memref<1024xf32, #tpu.memory_space<hbm>>)
        tpu.yield
      }) : () -> ()
    } else {
    }
    return
  }
}

module attributes {stable_mosaic.version = 14 : i64} {
  func.func @_cutoff_body(%arg0: memref<2x160x128xf32, #tpu.memory_space<vmem>>, %arg1: memref<8x128xi32, #tpu.memory_space<vmem>>) attributes {dimension_semantics = [], scalar_prefetch = 0 : i64, scratch_operands = 0 : i64, tpu.core_type = #tpu.core_type<tc>} {
    %get3A = arith.constant 0 : index
    %get3A_0 = arith.constant 0 : index
    %get3A_1 = arith.constant 0 : index
    %get3A_2 = vector.load %arg0[%get3A, %get3A_0, %get3A_1] : memref<2x160x128xf32, #tpu.memory_space<vmem>>, vector<1x160x128xf32>
    %get3A_3 = vector.shape_cast %get3A_2 : vector<1x160x128xf32> to vector<160x128xf32>
    %get3A_4 = arith.constant 1 : index
    %get3A_5 = arith.constant 0 : index
    %get3A_6 = arith.constant 0 : index
    %get3A_7 = vector.load %arg0[%get3A_4, %get3A_5, %get3A_6] : memref<2x160x128xf32, #tpu.memory_space<vmem>>, vector<1x160x128xf32>
    %get3A_8 = vector.shape_cast %get3A_7 : vector<1x160x128xf32> to vector<160x128xf32>
    %mul3A = arith.mulf %get3A_3, %get3A_8 : vector<160x128xf32>
    %gt3A = arith.constant 0.699999988 : f32
    %gt3A_9 = vector.broadcast %gt3A : f32 to vector<160x128xf32>
    %gt3A_10 = arith.cmpf ogt, %mul3A, %gt3A_9 : vector<160x128xf32>
    %jit3A = arith.constant -1.000000e+00 : f32
    %broadcast_in_dim3A = vector.broadcast %jit3A : f32 to vector<160x128xf32>
    %select_n3A = arith.select %gt3A_10, %mul3A, %broadcast_in_dim3A : vector<160x128xi1>, vector<160x128xf32>
    %bitcast_convert_type3A = tpu.bitcast %select_n3A : vector<160x128xf32> -> vector<160x128xi32>
    %ge3A = arith.constant 0 : i32
    %ge3A_11 = vector.broadcast %ge3A : i32 to vector<160x128xi32>
    %ge3A_12 = arith.cmpi sge, %bitcast_convert_type3A, %ge3A_11 : vector<160x128xi32>
    %jit3A_13 = arith.constant 1.000000e+00 : f32
    %jit3A_14 = arith.constant 0.000000e+00 : f32
    %broadcast_in_dim3A_15 = vector.broadcast %jit3A_13 : f32 to vector<160x128xf32>
    %broadcast_in_dim3A_16 = vector.broadcast %jit3A_14 : f32 to vector<160x128xf32>
    %select_n3A_17 = arith.select %ge3A_12, %broadcast_in_dim3A_15, %broadcast_in_dim3A_16 : vector<160x128xi1>, vector<160x128xf32>
    %reduce_sum3A = vector.shape_cast %select_n3A_17 : vector<160x128xf32> to vector<1x160x128xf32>
    %reduce_sum3A_18 = arith.constant dense<0.000000e+00> : vector<1xf32>
    %reduce_sum3A_19 = vector.multi_reduction <add>, %reduce_sum3A, %reduce_sum3A_18 [1, 2] : vector<1x160x128xf32> to vector<1xf32>
    %reduce_sum3A_20 = vector.shape_cast %reduce_sum3A_19 : vector<1xf32> to vector<1x1x1xf32>
    %reduce_sum3A_21 = vector.extract %reduce_sum3A_20[0, 0, 0] : f32 from vector<1x1x1xf32>
    %scan3A = arith.constant 1.000000e+03 : f32
    %scan3A_22 = arith.constant 0 : i32
    %scan3A_23 = arith.constant 1065353216 : i32
    %scan3A_24 = arith.constant 0 : i32
    %scan3A_25 = arith.constant 31 : i32
    %scan3A_26 = arith.addi %scan3A_24, %scan3A_25 : i32
    %scan3A_27 = arith.constant 1 : i32
    %scan3A_28:2 = scf.for %scan3A_66 = %scan3A_24 to %scan3A_26 step %scan3A_27 iter_args(%scan3A_67 = %scan3A_22, %scan3A_68 = %scan3A_23) -> (i32, i32)  : i32 {
      %sub3A = arith.subi %scan3A_68, %scan3A_67 : i32
      %add3A_69 = arith.constant 1 : i32
      %add3A_70 = arith.addi %sub3A, %add3A_69 : i32
      %jit3A_71 = arith.constant 2 : i32
      %div3A = arith.divsi %add3A_70, %jit3A_71 : i32
      %sign3A = arith.constant 0 : i32
      %sign3A_72 = arith.cmpi sgt, %add3A_70, %sign3A : i32
      %sign3A_73 = arith.extui %sign3A_72 : i1 to i32
      %sign3A_74 = arith.constant 0 : i32
      %sign3A_75 = arith.cmpi slt, %add3A_70, %sign3A_74 : i32
      %sign3A_76 = arith.extui %sign3A_75 : i1 to i32
      %sign3A_77 = arith.subi %sign3A_73, %sign3A_76 : i32
      %sign3A_78 = arith.constant 0 : i32
      %sign3A_79 = arith.cmpi sgt, %jit3A_71, %sign3A_78 : i32
      %sign3A_80 = arith.extui %sign3A_79 : i1 to i32
      %sign3A_81 = arith.constant 0 : i32
      %sign3A_82 = arith.cmpi slt, %jit3A_71, %sign3A_81 : i32
      %sign3A_83 = arith.extui %sign3A_82 : i1 to i32
      %sign3A_84 = arith.subi %sign3A_80, %sign3A_83 : i32
      %ne3A = arith.cmpi ne, %sign3A_77, %sign3A_84 : i32
      %rem3A = arith.remsi %add3A_70, %jit3A_71 : i32
      %ne3A_85 = arith.constant 0 : i32
      %ne3A_86 = arith.cmpi ne, %rem3A, %ne3A_85 : i32
      %and3A = arith.andi %ne3A, %ne3A_86 : i1
      %sub3A_87 = arith.constant 1 : i32
      %sub3A_88 = arith.subi %div3A, %sub3A_87 : i32
      %select_n3A_89 = arith.select %and3A, %sub3A_88, %div3A : i32
      %add3A_90 = arith.addi %scan3A_67, %select_n3A_89 : i32
      %ge3A_91 = vector.broadcast %add3A_90 : i32 to vector<160x128xi32>
      %ge3A_92 = arith.cmpi sge, %bitcast_convert_type3A, %ge3A_91 : vector<160x128xi32>
      %jit3A_93 = arith.constant 1.000000e+00 : f32
      %jit3A_94 = arith.constant 0.000000e+00 : f32
      %broadcast_in_dim3A_95 = vector.broadcast %jit3A_93 : f32 to vector<160x128xf32>
      %broadcast_in_dim3A_96 = vector.broadcast %jit3A_94 : f32 to vector<160x128xf32>
      %select_n3A_97 = arith.select %ge3A_92, %broadcast_in_dim3A_95, %broadcast_in_dim3A_96 : vector<160x128xi1>, vector<160x128xf32>
      %reduce_sum3A_98 = vector.shape_cast %select_n3A_97 : vector<160x128xf32> to vector<1x160x128xf32>
      %reduce_sum3A_99 = arith.constant dense<0.000000e+00> : vector<1xf32>
      %reduce_sum3A_100 = vector.multi_reduction <add>, %reduce_sum3A_98, %reduce_sum3A_99 [1, 2] : vector<1x160x128xf32> to vector<1xf32>
      %reduce_sum3A_101 = vector.shape_cast %reduce_sum3A_100 : vector<1xf32> to vector<1x1x1xf32>
      %reduce_sum3A_102 = vector.extract %reduce_sum3A_101[0, 0, 0] : f32 from vector<1x1x1xf32>
      %ge3A_103 = arith.cmpf oge, %reduce_sum3A_102, %scan3A : f32
      %select_n3A_104 = arith.select %ge3A_103, %add3A_90, %scan3A_67 : i32
      %sub3A_105 = arith.constant 1 : i32
      %sub3A_106 = arith.subi %add3A_90, %sub3A_105 : i32
      %select_n3A_107 = arith.select %ge3A_103, %scan3A_68, %sub3A_106 : i32
      scf.yield %select_n3A_104, %select_n3A_107 : i32, i32
    }
    %ge3A_29 = arith.constant 1.000000e+03 : f32
    %ge3A_30 = arith.cmpf oge, %reduce_sum3A_21, %ge3A_29 : f32
    %jit3A_31 = arith.constant -1082130432 : i32
    %select_n3A_32 = arith.select %ge3A_30, %scan3A_28#0, %jit3A_31 : i32
    %iota3A = tpu.iota {dimensions = array<i32: 0>} : vector<160x128xi32>
    %mul3A_33 = arith.constant 128 : i32
    %mul3A_34 = vector.broadcast %mul3A_33 : i32 to vector<160x128xi32>
    %mul3A_35 = arith.muli %iota3A, %mul3A_34 : vector<160x128xi32>
    %iota3A_36 = tpu.iota {dimensions = array<i32: 1>} : vector<160x128xi32>
    %add3A = arith.addi %mul3A_35, %iota3A_36 : vector<160x128xi32>
    %eq3A = vector.broadcast %select_n3A_32 : i32 to vector<160x128xi32>
    %eq3A_37 = arith.cmpi eq, %bitcast_convert_type3A, %eq3A : vector<160x128xi32>
    %gt3A_38 = vector.broadcast %select_n3A_32 : i32 to vector<160x128xi32>
    %gt3A_39 = arith.cmpi sgt, %bitcast_convert_type3A, %gt3A_38 : vector<160x128xi32>
    %jit3A_40 = arith.constant 1.000000e+00 : f32
    %jit3A_41 = arith.constant 0.000000e+00 : f32
    %broadcast_in_dim3A_42 = vector.broadcast %jit3A_40 : f32 to vector<160x128xf32>
    %broadcast_in_dim3A_43 = vector.broadcast %jit3A_41 : f32 to vector<160x128xf32>
    %select_n3A_44 = arith.select %gt3A_39, %broadcast_in_dim3A_42, %broadcast_in_dim3A_43 : vector<160x128xi1>, vector<160x128xf32>
    %reduce_sum3A_45 = vector.shape_cast %select_n3A_44 : vector<160x128xf32> to vector<1x160x128xf32>
    %reduce_sum3A_46 = arith.constant dense<0.000000e+00> : vector<1xf32>
    %reduce_sum3A_47 = vector.multi_reduction <add>, %reduce_sum3A_45, %reduce_sum3A_46 [1, 2] : vector<1x160x128xf32> to vector<1xf32>
    %reduce_sum3A_48 = vector.shape_cast %reduce_sum3A_47 : vector<1xf32> to vector<1x1x1xf32>
    %reduce_sum3A_49 = vector.extract %reduce_sum3A_48[0, 0, 0] : f32 from vector<1x1x1xf32>
    %scan3A_50 = arith.constant 1.000000e+03 : f32
    %scan3A_51 = arith.constant 0 : i32
    %scan3A_52 = arith.constant 20479 : i32
    %scan3A_53 = arith.constant 0 : i32
    %scan3A_54 = arith.constant 15 : i32
    %scan3A_55 = arith.addi %scan3A_53, %scan3A_54 : i32
    %scan3A_56 = arith.constant 1 : i32
    %scan3A_57:2 = scf.for %scan3A_66 = %scan3A_53 to %scan3A_55 step %scan3A_56 iter_args(%scan3A_67 = %scan3A_51, %scan3A_68 = %scan3A_52) -> (i32, i32)  : i32 {
      %add3A_69 = arith.addi %scan3A_67, %scan3A_68 : i32
      %jit3A_70 = arith.constant 2 : i32
      %div3A = arith.divsi %add3A_69, %jit3A_70 : i32
      %sign3A = arith.constant 0 : i32
      %sign3A_71 = arith.cmpi sgt, %add3A_69, %sign3A : i32
      %sign3A_72 = arith.extui %sign3A_71 : i1 to i32
      %sign3A_73 = arith.constant 0 : i32
      %sign3A_74 = arith.cmpi slt, %add3A_69, %sign3A_73 : i32
      %sign3A_75 = arith.extui %sign3A_74 : i1 to i32
      %sign3A_76 = arith.subi %sign3A_72, %sign3A_75 : i32
      %sign3A_77 = arith.constant 0 : i32
      %sign3A_78 = arith.cmpi sgt, %jit3A_70, %sign3A_77 : i32
      %sign3A_79 = arith.extui %sign3A_78 : i1 to i32
      %sign3A_80 = arith.constant 0 : i32
      %sign3A_81 = arith.cmpi slt, %jit3A_70, %sign3A_80 : i32
      %sign3A_82 = arith.extui %sign3A_81 : i1 to i32
      %sign3A_83 = arith.subi %sign3A_79, %sign3A_82 : i32
      %ne3A = arith.cmpi ne, %sign3A_76, %sign3A_83 : i32
      %rem3A = arith.remsi %add3A_69, %jit3A_70 : i32
      %ne3A_84 = arith.constant 0 : i32
      %ne3A_85 = arith.cmpi ne, %rem3A, %ne3A_84 : i32
      %and3A = arith.andi %ne3A, %ne3A_85 : i1
      %sub3A = arith.constant 1 : i32
      %sub3A_86 = arith.subi %div3A, %sub3A : i32
      %select_n3A_87 = arith.select %and3A, %sub3A_86, %div3A : i32
      %le3A = vector.broadcast %select_n3A_87 : i32 to vector<160x128xi32>
      %le3A_88 = arith.cmpi sle, %add3A, %le3A : vector<160x128xi32>
      %and3A_89 = arith.andi %eq3A_37, %le3A_88 : vector<160x128xi1>
      %jit3A_90 = arith.constant 1.000000e+00 : f32
      %jit3A_91 = arith.constant 0.000000e+00 : f32
      %broadcast_in_dim3A_92 = vector.broadcast %jit3A_90 : f32 to vector<160x128xf32>
      %broadcast_in_dim3A_93 = vector.broadcast %jit3A_91 : f32 to vector<160x128xf32>
      %select_n3A_94 = arith.select %and3A_89, %broadcast_in_dim3A_92, %broadcast_in_dim3A_93 : vector<160x128xi1>, vector<160x128xf32>
      %reduce_sum3A_95 = vector.shape_cast %select_n3A_94 : vector<160x128xf32> to vector<1x160x128xf32>
      %reduce_sum3A_96 = arith.constant dense<0.000000e+00> : vector<1xf32>
      %reduce_sum3A_97 = vector.multi_reduction <add>, %reduce_sum3A_95, %reduce_sum3A_96 [1, 2] : vector<1x160x128xf32> to vector<1xf32>
      %reduce_sum3A_98 = vector.shape_cast %reduce_sum3A_97 : vector<1xf32> to vector<1x1x1xf32>
      %reduce_sum3A_99 = vector.extract %reduce_sum3A_98[0, 0, 0] : f32 from vector<1x1x1xf32>
      %add3A_100 = arith.addf %reduce_sum3A_49, %reduce_sum3A_99 : f32
      %ge3A_101 = arith.cmpf oge, %add3A_100, %scan3A_50 : f32
      %add3A_102 = arith.constant 1 : i32
      %add3A_103 = arith.addi %select_n3A_87, %add3A_102 : i32
      %select_n3A_104 = arith.select %ge3A_101, %scan3A_67, %add3A_103 : i32
      %select_n3A_105 = arith.select %ge3A_101, %select_n3A_87, %scan3A_68 : i32
      scf.yield %select_n3A_104, %select_n3A_105 : i32, i32
    }
    %iota3A_58 = tpu.iota {dimensions = array<i32: 1>} : vector<8x128xi32>
    %lt3A = arith.constant 16 : i32
    %lt3A_59 = vector.broadcast %lt3A : i32 to vector<8x128xi32>
    %lt3A_60 = arith.cmpi slt, %iota3A_58, %lt3A_59 : vector<8x128xi32>
    %broadcast_in_dim3A_61 = vector.broadcast %select_n3A_32 : i32 to vector<8x128xi32>
    %broadcast_in_dim3A_62 = vector.broadcast %scan3A_57#0 : i32 to vector<8x128xi32>
    %select_n3A_63 = arith.select %lt3A_60, %broadcast_in_dim3A_61, %broadcast_in_dim3A_62 : vector<8x128xi1>, vector<8x128xi32>
    %swap3A = arith.constant 0 : index
    %swap3A_64 = arith.constant 0 : index
    %swap3A_65 = vector.load %arg1[%swap3A, %swap3A_64] : memref<8x128xi32, #tpu.memory_space<vmem>>, vector<8x128xi32>
    tpu.vector_store %arg1[%swap3A, %swap3A_64], %select_n3A_63 {strides = array<i32>} : memref<8x128xi32, #tpu.memory_space<vmem>>, vector<8x128xi32>,
    return
  }
}

</mosaic_0001>

<sc_bundles>
// kernel: kernel.4.cloned.1.call-start
scs
__scs_entry_jumppad:
0x0: {  	(pc) =	sbr.rel $0x88, $3  }
0x1: {  	(tag) =	ssettag $0x0;
	lr =	simm.s32 $0x1  }
0x2: {  	[smem:$0x3FA0] =	sst lr;
	_ =	strace $0xD0000000  }
0x3: {  	_ = 	snop  }
0x4: {  	_ = 	snop  }
0x5: {  	_ = 	snop  }
0x6: {  	_ = 	snop  }
0x7: {  	_ = 	snop  }
__scs_overlays_trampoline_lowered:
0x8: {  	[smem:$0x3FAF] =	sst s0  }
0x9: {  	[smem:$0x3FB0] =	sst s1  }
0xa: {  	[smem:$0x3FB1] =	sst s2  }
0xb: {  	[smem:$0x3FB2] =	sst s3  }
0xc: {  	[smem:$0x3FB3] =	sst s4  }
0xd: {  	[smem:$0x3FB4] =	sst s5  }
0xe: {  	[smem:$0x3FB5] =	sst s6  }
0xf: {  	[smem:$0x3FB6] =	sst s7  }
0x10: {  	[smem:$0x3FB7] =	sst s8  }
0x11: {  	[smem:$0x3FB8] =	sst s9;
	s0 =	simm.s32 @!p0 $0x0  }
0x12: {  	s1 =	sld [smem:$0x3F9E];
	s0 =	simm.s32 @p0 $0x1  }
0x13: {  	[smem:$0x3FB9] =	sst s0;
	s0 =	simm.s32 @!p1 $0x0  }
0x14: {  	s2 =	sld [smem:$0x3F9D];
	s0 =	simm.s32 @p1 $0x1  }
0x15: {  	[smem:$0x3FBA] =	sst s0;
	s0 =	simm.s32 @!p2 $0x0  }
0x16: {  	s3 =	sld [smem:$0x3FDB];
	s0 =	simm.s32 @p2 $0x1  }
0x17: {  	s4 =	simm.s32 $0x1BF5;
	[smem:$0x3FBC] =	sst s0  }
0x18: {  	s0 =	sld [smem:$0x3F9F];
	_ =	swait.ge [sflag:s4], $0x0  }
0x19: {  	s7 =	sld [smem:$0x3FA0]  }
0x1a: {  	s8 =	sadd.s32 $0xFFFFE003, lr  }
0x1b: {  	s9 =	sadd.s32 $0xFFFFFEF7, lr;
	s5 =	simm.s32 $0xFFFFFFFF;
	p2 =	slt.u32 s8, $0xFFFFF086  }
0x1c: {  	p1 =	slt.u32 s9, $0xF7A;
	s5 =	simm.s32 @!p2 $0x0  }
0x1d: {  	s5 =	simm.s32 @p1 $0x1;
	p0 =	seq.s32 s7, s2  }
0x1e: {  	s7 =	smul.u32 @!p0 $0xF7A, s2;
	p2 =	seq.s32 @!p0 s5, $0x0  }
0x1f: {  	s9 =	smul.u32 $0xF7A, s1;
	s8 =	simm.s32 @!p0 $0x1BF5;
	p2 =	por !p2, p0  }
0x20: {  	[sflag:s8] =	ssyncset.s32 @!p0 $0xFFFFF086;
	s6 =	sadd.s32 @!p0 s3, s7;
	s7 =	simm.s32 @!p0 $0x108  }
0x21: {  	s3 =	sadd.s32 s3, s9;
	s6 =	sadd.s32 @!p0 $0x88, s6;
	s7 =	simm.s32 @p2 $0x1082  }
0x22: {  	[simem:s7], [sflag:s8] =	dma.local @!p0 [hbm:s6], $0xF7A  }
0x23: {  	s9 =	sor.u32 $0xD0000000, s2;
	s6 =	simm.s32 $0x108;
	_ =	swait.ge @!p0 [sflag:s8], $0x0  }
0x24: {  	s3 =	sadd.s32 $0x88, s3;
	s6 =	simm.s32 @!p1 $0x1082;
	[sflag:s4] =	ssyncset.s32 $0xFFFFF086  }
0x25: {  	[simem:s6], [sflag:s4] =	dma.local [hbm:s3], $0xF7A  }
0x26: {  	[smem:$0x3FA0] =	sst s1;
	(tag) =	ssettag s2;
	_ =	strace s9  }
0x27: {  	s1 =	sld [smem:$0x3FB0]  }
0x28: {  	s2 =	sld [smem:$0x3FB1]  }
0x29: {  	s4 =	sld [smem:$0x3FB3]  }
0x2a: {  	p0 =	seq.s32 s5, $0x0;
	s5 =	sld [smem:$0x3FB4]  }
0x2b: {  	s6 =	sld [smem:$0x3FB5]  }
0x2c: {  	s7 =	sld [smem:$0x3FB6]  }
0x2d: {  	s3 =	simm.s32 $0x108;
	s8 =	sld [smem:$0x3FB7]  }
0x2e: {  	s3 =	simm.s32 @!p0 $0x1082;
	s9 =	sld [smem:$0x3FB8]  }
0x2f: {  	lr =	sadd.s32 s0, s3;
	s0 =	sld [smem:$0x3FAF]  }
0x30: {  	s3 =	sld [smem:$0x3FB2]  }
0x31: {  	[smem:$0x3FBB] =	sst s10  }
0x32: {  	s10 =	sld [smem:$0x3FB9];
	_ =	sdelay $0x3  }
0x33: {  	p0 =	seq.s32 s10, $0x1;
	s10 =	sld [smem:$0x3FBB];
	_ =	sdelay $0x3  }
0x34: {  	[smem:$0x3FBB] =	sst s10  }
0x35: {  	s10 =	sld [smem:$0x3FBA];
	_ =	sdelay $0x3  }
0x36: {  	p1 =	seq.s32 s10, $0x1;
	s10 =	sld [smem:$0x3FBB];
	_ =	sdelay $0x3  }
0x37: {  	[smem:$0x3FBB] =	sst s10  }
0x38: {  	s10 =	sld [smem:$0x3FBC]  }
0x39: {  	_ = 	snop;
	(pc) =	sbr.ind lr, $3  }
0x3a: {  	_ = 	snop  }
0x3b: {  	_ = 	snop  }
0x3c: {  	p2 =	seq.s32 s10, $0x1;
	s10 =	sld [smem:$0x3FBB]  }
0x3d: {  	_ =	shalt  }
0x3e: {  	_ =	shalt  }
0x3f: {  	_ =	shalt  }
0x40: {  	_ =	shalt  }
0x41: {  	_ =	shalt  }
0x42: {  	_ =	shalt  }
0x43: {  	_ =	shalt  }
0x44: {  	_ =	shalt  }
0x45: {  	_ =	shalt  }
0x46: {  	_ =	shalt  }
0x47: {  	_ =	shalt  }
0x48: {  	_ =	shalt  }
0x49: {  	_ =	shalt  }
0x4a: {  	_ =	shalt  }
0x4b: {  	_ =	shalt  }
0x4c: {  	_ =	shalt  }
0x4d: {  	_ =	shalt  }
0x4e: {  	_ =	shalt  }
0x4f: {  	_ =	shalt  }
0x50: {  	_ =	shalt  }
0x51: {  	_ =	shalt  }
0x52: {  	_ =	shalt  }
0x53: {  	_ =	shalt  }
0x54: {  	_ =	shalt  }
0x55: {  	_ =	shalt  }
0x56: {  	_ =	shalt  }
0x57: {  	_ =	shalt  }
0x58: {  	_ =	shalt  }
0x59: {  	_ =	shalt  }
0x5a: {  	_ =	shalt  }
0x5b: {  	_ =	shalt  }
0x5c: {  	_ =	shalt  }
0x5d: {  	_ =	shalt  }
0x5e: {  	_ =	shalt  }
0x5f: {  	_ =	shalt  }
0x60: {  	_ =	shalt  }
0x61: {  	_ =	shalt  }
0x62: {  	_ =	shalt  }
0x63: {  	_ =	shalt  }
0x64: {  	_ =	shalt  }
0x65: {  	_ =	shalt  }
0x66: {  	_ =	shalt  }
0x67: {  	_ =	shalt  }
0x68: {  	_ =	shalt  }
0x69: {  	_ =	shalt  }
0x6a: {  	_ =	shalt  }
0x6b: {  	_ =	shalt  }
0x6c: {  	_ =	shalt  }
0x6d: {  	_ =	shalt  }
0x6e: {  	_ =	shalt  }
0x6f: {  	_ =	shalt  }
0x70: {  	_ =	shalt  }
0x71: {  	_ =	shalt  }
0x72: {  	_ =	shalt  }
0x73: {  	_ =	shalt  }
0x74: {  	_ =	shalt  }
0x75: {  	_ =	shalt  }
0x76: {  	_ =	shalt  }
0x77: {  	_ =	shalt  }
0x78: {  	_ =	shalt  }
0x79: {  	_ =	shalt  }
0x7a: {  	_ =	shalt  }
0x7b: {  	_ =	shalt  }
0x7c: {  	_ =	shalt  }
0x7d: {  	_ =	shalt  }
0x7e: {  	_ =	shalt  }
0x7f: {  	_ =	shalt  }
0x80: {  	_ =	shalt  }
0x81: {  	_ =	shalt  }
0x82: {  	_ =	shalt  }
0x83: {  	_ =	shalt  }
0x84: {  	_ =	shalt  }
0x85: {  	_ =	shalt  }
0x86: {  	_ =	shalt  }
0x87: {  	_ =	shalt  }
.Lfunc_end0:
.L_simem_size_0:
called_computation_lowered:
.L_overlay_start_0:
0x88: {  	s2 =	sld [smem:$0x3FD9]  }
0x89: {  	s3 =	sld [smem:$0x3FFE];
	_ =	sdelay $0x1  }
0x8a: {  	s1 =	srdreg.scid  }
0x8b: {  	s0 =	sand.u32 $0x1, s1  }
0x8c: {  	s17 =	sshll.u32 s0, $0xA;
	s2 =	sadd.s32 s3, s2  }
0x8d: {  	s2 =	sadd.s32 s2, s17  }
0x8e: {  	[smem:$0x3FC7] =	sst s2  }
0x8f: {  	_ = 	snop  }
0x90: {  	s2 =	sld [smem:$0x3FD0];
	(tm) =	ssettm $0x1  }
0x91: {  	s18 =	sld [smem:$0x3FFB];
	_ =	sdelay $0x3  }
0x92: {  	_ =	strace s18  }
0x93: {  	s3 =	sld [smem:$0x3FFC];
	_ =	sdelay $0x3  }
0x94: {  	_ =	strace s3  }
0x95: {  	s3 =	sld [smem:$0x3FFD];
	_ =	sdelay $0x3  }
0x96: {  	_ =	strace s3  }
0x97: {  	_ =	strace $0x8FFFFFFF  }
0x98: {  	s19 =	sld [smem:$0x3FDB];
	_ =	sdelay $0x1  }
0x99: {  	s4 =	simm.s32 $_scs_section_size  }
0x9a: {  	s5 =	simm.s32 $_size__tile_overlayer_lowered;
	s6 =	simm.s32 $_tile_overlayer_lowered  }
0x9b: {  	s22 =	simm.s32 $0x1BFF;
	s21 =	sshll.u32 s6, $0x1;
	s3 =	sadd.s32 s4, s19  }
0x9c: {  	s7 =	simm.s32 $0x0;
	s20 =	sshll.u32 s5, $0x1;
	s5 =	sadd.s32 s21, s3  }
0x9d: {  	[timem:s7], [sflag:s22] =	dma.local [hbm:s5], s20  }
0x9e: {  	_ =	swait.ge [sflag:s22], s20  }
0x9f: {  	s4 =	ssub.s32 $0x0, s20;
	[sflag:s22] =	ssyncset.done $0x0  }
0xa0: {  	[sflag:s22] =	ssyncadd.s32 s4;
	_ =	sdelay $0x1  }
0xa1: {  	s23 =	simm.s32 $0x1B8B  }
0xa2: {  	_ =	swait.ge [sflag:s23], $0x1  }
0xa3: {  	[sflag:s23] =	ssyncset.done $0x0  }
0xa4: {  	s25 =	simm.s32 $0x1B8E;
	s24 =	sld [smem:$0x3FFE];
	[sflag:s23] =	ssyncadd.s32 $0xFFFFFFFF  }
0xa5: {  	s26 =	simm.s32 $execute0_lowered;
	[smem:$0x3FD2] =	sst s25  }
0xa6: {  	s5 =	sshll.u32 s26, $0x1;
	_ =	strace $0x80000046;
	[dreg:$0x1] =	wrdreg $0xFFFFFFFF  }
0xa7: {  	s28 =	simm.s32 $_size_execute0_lowered;
	s3 =	sadd.s32 s3, s5;
	[dreg:$0x0] =	wrdreg $0x0  }
0xa8: {  	s5 =	sshll.u32 s28, $0x1;
	[dreg:$0x2] =	wrdreg s3  }
0xa9: {  	[dreg:$0x3] =	wrdreg s5  }
0xaa: {  	[dreg:$0x4] =	wrdreg $0xC0  }
0xab: {  	_ =	task [dreg:s7], $0x5FFFF  }
0xac: {  	[dreg:$0x1] =	wrdreg $0xFFFFFFFF  }
0xad: {  	[dreg:$0x0] =	wrdreg $0x60  }
0xae: {  	[dreg:$0x2] =	wrdreg s24  }
0xaf: {  	[dreg:$0x3] =	wrdreg s2  }
0xb0: {  	[dreg:$0x4] =	wrdreg $0x9  }
0xb1: {  	_ =	task.clear_ibuf [dreg:s7], $0x5FFFF;
	_ =	strace $0x90000046  }
0xb2: {  	s29 =	simm.s32 $0x9;
	_ =	strace $0x80000048  }
0xb3: {  	_ =	swait.ge [sflag:s29], $0x1  }
0xb4: {  	[sflag:s29] =	ssyncadd.s32 $0xFFFFFFFF  }
0xb5: {  	_ =	strace $0x90000048  }
0xb6: {  	_ =	sfence  }
0xb7: {  	s30 =	sld [smem:$0x0];
	_ =	sdelay $0x2  }
0xb8: {  	s31 =	sshll.u32 s1, $0xD;
	s1 =	sshrl.u32 s1, $0x2  }
0xb9: {  	s3 =	sand.u32 $0x4000, s31;
	s1 =	sadd.s32 s1, s30  }
0xba: {  	s0 =	sor.u32 s3, s0;
	s1 =	sshll.u32 s1, $0x11  }
0xbb: {  	s0 =	sor.u32 s1, s0  }
0xbc: {  	s0 =	sadd.s32 $0x8F2B, s0  }
0xbd: {  	[sflag:s0] =	ssyncadd.remote.s32 $0x1  }
0xbe: {  	_ =	sfence.sel $0xFFFF  }
0xbf: {  	[dreg:$0x0] =	wrdreg $0xFFFFFFFF;
	(pc) =	sbr.abs _section_cstart, $3  }
0xc0: {  	[dreg:$0x1] =	wrdreg $0xFFFFFFFF  }
0xc1: {  	_ =	task.clear_ibuf [dreg:s7], $0x2FFFF;
	_ =	strace $0x9FFFFFFF  }
0xc2: {  	(tm) =	ssettm $0x7FFFFFFF  }
0xc3: {  	_ =	shalt  }
tec
execute0_lowered:
.L_overlay_start_1:
0x0: {  	(tag) =	ssettag $0x1  }
0x1: {  	s0 =	srdreg.scid  }
0x2: {  	s2 =	stileid.u32;
	s0 =	sand.u32 $0x1, s0  }
0x3: {  	s2 =	sshll.u32 s2, $0x1;
	s4 =	ssub.s32 $0x0, s0  }
0x4: {  	p0 =	sne.s32 s2, s4  }
.Ltmp0:
0x5: {  	_ = 	snop;
	(pc) =	sbr.rel @p0 .LBB2_9-.Ltmp0, $4  }
0x6: {  	_ = 	snop  }
0x7: {  	s3 =	simm.s32 $0x0  }
0x8: {  	[smem:$0x7FF] =	sst s3  }
0x9: {  	s1 =	rddreg [dreg:$0x0];
	_ =	strace $0x80000047  }
0xa: {  	s4 =	sadd.s32 $0x800, s1  }
0xb: {  	s2 =	sadd.s32 $0x600, s1;
	s6 =	sadd.s32 $0x5800, s1;
	s30 =	rddreg [dreg:$0x1]  }
0xc: {  	s0 =	ssub.s32 $0x2, s0;
	s16 =	simm.s32 $0x1;
	s17 =	simm.s32 $0x80  }
0xd: {  	s18 =	simm.s32 $0x880;
	s19 =	simm.s32 $0x1080;
	s20 =	simm.s32 $0x1880  }
0xe: {  	s21 =	simm.s32 $0x2080;
	s22 =	simm.s32 $0x2880;
	s23 =	simm.s32 $0x3080  }
0xf: {  	s24 =	simm.s32 $0x3880;
	s25 =	simm.s32 $0x4080;
	s29 =	simm.s32 $0x0  }
0x10: {  	[dreg:$0x3] =	wrdreg s2;
	s7 =	sadd.s32 $0x80, s30;
	s8 =	sadd.s32 $0x100, s30  }
0x11: {  	s9 =	sadd.s32 $0x180, s30;
	s10 =	sadd.s32 $0x200, s30;
	s31 =	sshrl.u32 s0, $0x1  }
0x12: {  	s11 =	sadd.s32 $0x280, s30;
	s12 =	sadd.s32 $0x300, s30;
	s0 =	ssub.s32 s0, s31  }
0x13: {  	v0 =	vimm.f32 $0.0e+00;
	v1 =	vlaneseq.u32;
	s13 =	sadd.s32 $0x380, s30;
	s14 =	sadd.s32 $0x400, s30;
	s15 =	smax.u32 s0, $0x1  }
.LBB2_2:
0x14: {  	s28 =	simm.s32 $0x0;
	s0 =	rddreg [dreg:$0x3]  }
0x15: {  	[tilespmem:s28], [sflag:$0x1] =	stream.linear.gather [hbm4b:s0+s28], $0x20, $0x38;
	[tilespmem:$0x7100] =	vst v63  }
0x16: {  	_ =	swait.ge [sflag:s16], $0x20  }
0x17: {  	[sflag:s16] =	ssyncset.done $0x0  }
0x18: {  	s1 =	simm.s32 $0x40;
	s0 =	simm.s32 $0x0;
	[sflag:s16] =	ssyncadd.s32 $0xFFFFFFE0  }
.LBB2_3:
0x19: {  	p0 =	sne.s32 s1, $0x1040;
	[tilespmem:s0+$0x6C80] =	vst v0  }
0x1a: {  	[tilespmem:s0+$0x4880] =	vst v0  }
0x1b: {  	[tilespmem:s0+$0x4D00] =	vst v0  }
0x1c: {  	[tilespmem:s0+$0x5180] =	vst v0  }
.Ltmp1:
0x1d: {  	[tilespmem:s0+$0x5600] =	vst v0;
	(pc) =	sbr.rel @p0 .LBB2_3-.Ltmp1, $4  }
0x1e: {  	[tilespmem:s0+$0x5A80] =	vst v0  }
0x1f: {  	[tilespmem:s0+$0x5F00] =	vst v0  }
0x20: {  	[tilespmem:s0+$0x6380] =	vst v0  }
0x21: {  	[tilespmem:s0+$0x6800] =	vst v0;
	s0 =	sshra.s32 s1, $0x2;
	s1 =	sadd.s32 $0x40, s1  }
0x22: {  	[tilespmem:s0+$0x6C80] =	vst v0  }
0x23: {  	[tilespmem:s0+$0x4880] =	vst v0  }
0x24: {  	[tilespmem:s0+$0x4D00] =	vst v0  }
0x25: {  	[tilespmem:s0+$0x5180] =	vst v0  }
0x26: {  	[tilespmem:s0+$0x5600] =	vst v0  }
0x27: {  	[tilespmem:s0+$0x5A80] =	vst v0  }
0x28: {  	[tilespmem:s0+$0x5F00] =	vst v0  }
0x29: {  	[tilespmem:s0+$0x6380] =	vst v0  }
0x2a: {  	[tilespmem:s0+$0x6800] =	vst v0;
	s0 =	simm.s32 $0x0;
	s31 =	simm.s32 $0x0  }
.LBB2_5:
0x2b: {  	s1 =	sshll.u32 s31, $0x8  }
0x2c: {  	s26 =	simm.s32 $0x0;
	s2 =	sadd.s32 s4, s1  }
0x2d: {  	[tilespmem:s17], [sflag:$0x1] =	stream.linear.gather [hbm4b:s2+s26], $0x800, $0x38;
	[tilespmem:$0x7100] =	vst v63  }
0x2e: {  	s5 =	sand.u32 $0x1FFFFF00, s1;
	_ =	swait.ge [sflag:s16], $0x800  }
0x2f: {  	s2 =	sadd.s32 s4, s5;
	[sflag:s16] =	ssyncset.done $0x0  }
0x30: {  	s30 =	sadd.s32 $0xA00, s2;
	[sflag:s16] =	ssyncadd.s32 $0xFFFFF800  }
0x31: {  	[tilespmem:s18], [sflag:$0x1] =	stream.linear.gather [hbm4b:s30+s26], $0x800, $0x38;
	[tilespmem:$0x7100] =	vst v63  }
0x32: {  	_ =	swait.ge [sflag:s16], $0x800  }
0x33: {  	[sflag:s16] =	ssyncset.done $0x0  }
0x34: {  	s30 =	sadd.s32 $0x1400, s2;
	[sflag:s16] =	ssyncadd.s32 $0xFFFFF800  }
0x35: {  	[tilespmem:s19], [sflag:$0x1] =	stream.linear.gather [hbm4b:s30+s26], $0x800, $0x38;
	[tilespmem:$0x7100] =	vst v63  }
0x36: {  	_ =	swait.ge [sflag:s16], $0x800  }
0x37: {  	[sflag:s16] =	ssyncset.done $0x0  }
0x38: {  	s30 =	sadd.s32 $0x1E00, s2;
	[sflag:s16] =	ssyncadd.s32 $0xFFFFF800  }
0x39: {  	[tilespmem:s20], [sflag:$0x1] =	stream.linear.gather [hbm4b:s30+s26], $0x800, $0x38;
	[tilespmem:$0x7100] =	vst v63  }
0x3a: {  	_ =	swait.ge [sflag:s16], $0x800  }
0x3b: {  	[sflag:s16] =	ssyncset.done $0x0  }
0x3c: {  	s30 =	sadd.s32 $0x2800, s2;
	[sflag:s16] =	ssyncadd.s32 $0xFFFFF800  }
0x3d: {  	[tilespmem:s21], [sflag:$0x1] =	stream.linear.gather [hbm4b:s30+s26], $0x800, $0x38;
	[tilespmem:$0x7100] =	vst v63  }
0x3e: {  	_ =	swait.ge [sflag:s16], $0x800  }
0x3f: {  	[sflag:s16] =	ssyncset.done $0x0  }
0x40: {  	s30 =	sadd.s32 $0x3200, s2;
	[sflag:s16] =	ssyncadd.s32 $0xFFFFF800  }
0x41: {  	[tilespmem:s22], [sflag:$0x1] =	stream.linear.gather [hbm4b:s30+s26], $0x800, $0x38;
	[tilespmem:$0x7100] =	vst v63  }
0x42: {  	_ =	swait.ge [sflag:s16], $0x800  }
0x43: {  	[sflag:s16] =	ssyncset.done $0x0  }
0x44: {  	s30 =	sadd.s32 $0x3C00, s2;
	[sflag:s16] =	ssyncadd.s32 $0xFFFFF800  }
0x45: {  	[tilespmem:s23], [sflag:$0x1] =	stream.linear.gather [hbm4b:s30+s26], $0x800, $0x38;
	[tilespmem:$0x7100] =	vst v63  }
0x46: {  	_ =	swait.ge [sflag:s16], $0x800  }
0x47: {  	[sflag:s16] =	ssyncset.done $0x0  }
0x48: {  	s2 =	sadd.s32 $0x4600, s2;
	[sflag:s16] =	ssyncadd.s32 $0xFFFFF800  }
0x49: {  	[tilespmem:s24], [sflag:$0x1] =	stream.linear.gather [hbm4b:s2+s26], $0x800, $0x38;
	[tilespmem:$0x7100] =	vst v63  }
0x4a: {  	_ =	swait.ge [sflag:s16], $0x800  }
0x4b: {  	[sflag:s16] =	ssyncset.done $0x0  }
0x4c: {  	s1 =	sadd.s32 s1, s6;
	[sflag:s16] =	ssyncadd.s32 $0xFFFFF800  }
0x4d: {  	[tilespmem:s25], [sflag:$0x1] =	stream.linear.gather [hbm4b:s1+s26], $0x800, $0x38;
	[tilespmem:$0x7100] =	vst v63  }
0x4e: {  	_ =	swait.ge [sflag:s16], $0x800  }
0x4f: {  	[sflag:s16] =	ssyncset.done $0x0  }
0x50: {  	s2 =	simm.s32 $0x0;
	[sflag:s16] =	ssyncadd.s32 $0xFFFFF800  }
0x51: {  	v2 =	vld [tilespmem:s2+$0x2080]  }
0x52: {  	v3 =	vld [tilespmem:s2+$0x2880];
	_ =	sdelay $0x2  }
0x53: {  	v4 =	vld [tilespmem:$0x0]  }
0x54: {  	v5 =	vld [tilespmem:$0x10]  }
0x55: {  	v2 =	vmul.f32 v3, v2;
	_ =	sdelay $0x1  }
0x56: {  	v3 =	vld [tilespmem:s2+$0x80];
	vm0 =	vgt.f32 v2, $6.999999880e-01  }
0x57: {  	v6 =	vor.u32 s28, v1;
	v2 =	vnsel vm0, $0xBF800000, v2  }
0x58: {  	vm0 =	vle.s32 v6, v5;
	vm1 =	veq.s32 v2, v4  }
0x59: {  	vm2 =	vgt.s32 v2, v4;
	vm0 =	vmand vm0, vm1  }
0x5a: {  	vm0 =	vmor vm2, vm0  }
0x5b: {  	[tilespmem:s0+$0x4880] =	vst.msk vm0, v3  }
0x5c: {  	v2 =	vld [tilespmem:s2+$0x880];
	_ =	sdelay $0x4  }
0x5d: {  	[tilespmem:s0+$0x4D00] =	vst.msk vm0, v2  }
0x5e: {  	v2 =	vld [tilespmem:s2+$0x1080];
	_ =	sdelay $0x4  }
0x5f: {  	[tilespmem:s0+$0x5180] =	vst.msk vm0, v2  }
0x60: {  	v2 =	vld [tilespmem:s2+$0x1880];
	_ =	sdelay $0x4  }
0x61: {  	[tilespmem:s0+$0x5600] =	vst.msk vm0, v2  }
0x62: {  	v2 =	vld [tilespmem:s2+$0x2080];
	_ =	sdelay $0x2  }
0x63: {  	v3 =	vmpcnt.ones.xlane vm0;
	_ =	sdelay $0x1  }
0x64: {  	(v2sf) =	vpush v3, $0x0;
	[tilespmem:s0+$0x5A80] =	vst.msk vm0, v2  }
0x65: {  	v2 =	vld [tilespmem:s2+$0x2880];
	_ =	sdelay $0x4  }
0x66: {  	[tilespmem:s0+$0x5F00] =	vst.msk vm0, v2  }
0x67: {  	v2 =	vld [tilespmem:s2+$0x3080];
	_ =	sdelay $0x4  }
0x68: {  	[tilespmem:s0+$0x6380] =	vst.msk vm0, v2  }
0x69: {  	v2 =	vld [tilespmem:s2+$0x3880];
	_ =	sdelay $0x1  }
0x6a: {  	s26 =	spop (v2sf)  }
0x6b: {  	s5 =	sadd.s32 s0, s26  }
0x6c: {  	p0 =	slt.s32 s5, $0x400  }
0x6d: {  	s30 =	smov.u32 s28;
	s5 =	simm.s32 @!p0 $0x400;
	[tilespmem:s0+$0x6800] =	vst.msk vm0, v2  }
0x6e: {  	s1 =	smov.u32 s0;
	s26 =	simm.s32 $0x40;
	s0 =	smov.u32 s5;
	v2 =	vld [tilespmem:s2+$0x4080]  }
.LBB2_6:
0x6f: {  	_ =	sdelay $0x1  }
0x70: {  	p0 =	sne.s32 s26, $0x1FC0  }
0x71: {  	s30 =	sadd.s32 $0x10, s30;
	s2 =	smov.u32 s26;
	s26 =	sadd.s32 $0x40, s26  }
0x72: {  	s2 =	sshra.s32 s2, $0x2;
	[tilespmem:s1+$0x6C80] =	vst.msk vm0, v2;
	s1 =	smov.u32 s0  }
0x73: {  	v2 =	vld [tilespmem:s2+$0x2080]  }
0x74: {  	v3 =	vld [tilespmem:s2+$0x2880];
	_ =	sdelay $0x1  }
0x75: {  	v4 =	vld [tilespmem:$0x0]  }
0x76: {  	v5 =	vld [tilespmem:$0x10];
	_ =	sdelay $0x1  }
0x77: {  	v2 =	vmul.f32 v3, v2  }
0x78: {  	v3 =	vld [tilespmem:s2+$0x80]  }
0x79: {  	v6 =	vor.u32 s30, v1;
	vm0 =	vgt.f32 v2, $6.999999880e-01  }
0x7a: {  	v2 =	vnsel vm0, $0xBF800000, v2;
	vm0 =	vle.s32 v6, v5  }
0x7b: {  	vm1 =	vgt.s32 v2, v4;
	vm2 =	veq.s32 v2, v4  }
0x7c: {  	vm0 =	vmand vm0, vm2  }
0x7d: {  	vm0 =	vmor vm1, vm0  }
0x7e: {  	v2 =	vmpcnt.ones.xlane vm0;
	[tilespmem:s0+$0x4880] =	vst.msk vm0, v3  }
0x7f: {  	v3 =	vld [tilespmem:s2+$0x880]  }
0x80: {  	(v2sf) =	vpush v2, $0x0;
	_ =	sdelay $0x3  }
0x81: {  	[tilespmem:s0+$0x4D00] =	vst.msk vm0, v3  }
0x82: {  	v2 =	vld [tilespmem:s2+$0x1080];
	_ =	sdelay $0x4  }
0x83: {  	[tilespmem:s0+$0x5180] =	vst.msk vm0, v2  }
0x84: {  	v2 =	vld [tilespmem:s2+$0x1880];
	_ =	sdelay $0x3  }
0x85: {  	s5 =	spop (v2sf)  }
0x86: {  	[tilespmem:s0+$0x5600] =	vst.msk vm0, v2;
	s0 =	sadd.s32 s0, s5  }
0x87: {  	v2 =	vld [tilespmem:s2+$0x2080];
	p1 =	slt.s32 s0, $0x400  }
0x88: {  	s0 =	simm.s32 @!p1 $0x400;
	_ =	sdelay $0x3  }
0x89: {  	[tilespmem:s1+$0x5A80] =	vst.msk vm0, v2  }
0x8a: {  	v2 =	vld [tilespmem:s2+$0x2880];
	_ =	sdelay $0x4  }
0x8b: {  	[tilespmem:s1+$0x5F00] =	vst.msk vm0, v2  }
0x8c: {  	v2 =	vld [tilespmem:s2+$0x3080];
	_ =	sdelay $0x4  }
0x8d: {  	[tilespmem:s1+$0x6380] =	vst.msk vm0, v2  }
0x8e: {  	v2 =	vld [tilespmem:s2+$0x3880];
	_ =	sdelay $0x1  }
.Ltmp2:
0x8f: {  	(pc) =	sbr.rel @p0 .LBB2_6-.Ltmp2, $3  }
0x90: {  	_ =	sdelay $0x1  }
0x91: {  	[tilespmem:s1+$0x6800] =	vst.msk vm0, v2  }
0x92: {  	v2 =	vld [tilespmem:s2+$0x4080]  }
0x93: {  	s31 =	sadd.s32 $0x1, s31  }
0x94: {  	p0 =	sne.s32 s31, $0xA  }
.Ltmp3:
0x95: {  	_ = 	snop;
	(pc) =	sbr.rel @p0 .LBB2_5-.Ltmp3, $2  }
0x96: {  	_ =	sdelay $0x2  }
0x97: {  	s28 =	sadd.s32 $0x800, s28;
	[tilespmem:s1+$0x6C80] =	vst.msk vm0, v2  }
0x98: {  	s0 =	rddreg [dreg:$0x1];
	s1 =	simm.s32 $0x4880  }
0x99: {  	[hbm4b:s0+s3] =	stream.linear.scatter [tilespmem:s1], [sflag:$0x1], $0x400, $0x38;
	[tilespmem:$0x7100] =	vst v63  }
0x9a: {  	_ =	swait.ge [sflag:s16], $0x400  }
0x9b: {  	[sflag:s16] =	ssyncset.done $0x0  }
0x9c: {  	s31 =	simm.s32 $0x4D00;
	[sflag:s16] =	ssyncadd.s32 $0xFFFFFC00  }
0x9d: {  	[hbm4b:s7+s3] =	stream.linear.scatter [tilespmem:s31], [sflag:$0x1], $0x400, $0x38;
	[tilespmem:$0x7100] =	vst v63  }
0x9e: {  	_ =	swait.ge [sflag:s16], $0x400  }
0x9f: {  	[sflag:s16] =	ssyncset.done $0x0  }
0xa0: {  	s1 =	simm.s32 $0x5180;
	[sflag:s16] =	ssyncadd.s32 $0xFFFFFC00  }
0xa1: {  	[hbm4b:s8+s3] =	stream.linear.scatter [tilespmem:s1], [sflag:$0x1], $0x400, $0x38;
	[tilespmem:$0x7100] =	vst v63  }
0xa2: {  	_ =	swait.ge [sflag:s16], $0x400  }
0xa3: {  	[sflag:s16] =	ssyncset.done $0x0  }
0xa4: {  	s2 =	simm.s32 $0x5600;
	[sflag:s16] =	ssyncadd.s32 $0xFFFFFC00  }
0xa5: {  	[hbm4b:s9+s3] =	stream.linear.scatter [tilespmem:s2], [sflag:$0x1], $0x400, $0x38;
	[tilespmem:$0x7100] =	vst v63  }
0xa6: {  	_ =	swait.ge [sflag:s16], $0x400  }
0xa7: {  	[sflag:s16] =	ssyncset.done $0x0  }
0xa8: {  	s5 =	simm.s32 $0x5A80;
	[sflag:s16] =	ssyncadd.s32 $0xFFFFFC00  }
0xa9: {  	[hbm4b:s10+s3] =	stream.linear.scatter [tilespmem:s5], [sflag:$0x1], $0x400, $0x38;
	[tilespmem:$0x7100] =	vst v63  }
0xaa: {  	_ =	swait.ge [sflag:s16], $0x400  }
0xab: {  	[sflag:s16] =	ssyncset.done $0x0  }
0xac: {  	s26 =	simm.s32 $0x5F00;
	[sflag:s16] =	ssyncadd.s32 $0xFFFFFC00  }
0xad: {  	[hbm4b:s11+s3] =	stream.linear.scatter [tilespmem:s26], [sflag:$0x1], $0x400, $0x38;
	[tilespmem:$0x7100] =	vst v63  }
0xae: {  	_ =	swait.ge [sflag:s16], $0x400  }
0xaf: {  	[sflag:s16] =	ssyncset.done $0x0  }
0xb0: {  	s28 =	simm.s32 $0x6380;
	[sflag:s16] =	ssyncadd.s32 $0xFFFFFC00  }
0xb1: {  	[hbm4b:s12+s3] =	stream.linear.scatter [tilespmem:s28], [sflag:$0x1], $0x400, $0x38;
	[tilespmem:$0x7100] =	vst v63  }
0xb2: {  	_ =	swait.ge [sflag:s16], $0x400  }
0xb3: {  	[sflag:s16] =	ssyncset.done $0x0  }
0xb4: {  	s30 =	simm.s32 $0x6800;
	[sflag:s16] =	ssyncadd.s32 $0xFFFFFC00  }
0xb5: {  	[hbm4b:s13+s3] =	stream.linear.scatter [tilespmem:s30], [sflag:$0x1], $0x400, $0x38;
	[tilespmem:$0x7100] =	vst v63  }
0xb6: {  	s29 =	sadd.s32 $0x1, s29;
	_ =	swait.ge [sflag:s16], $0x400  }
0xb7: {  	p0 =	sne.s32 s29, s15;
	[sflag:s16] =	ssyncset.done $0x0  }
.Ltmp4:
0xb8: {  	s31 =	simm.s32 $0x6C80;
	[sflag:s16] =	ssyncadd.s32 $0xFFFFFC00;
	(pc) =	sbr.rel @p0 .LBB2_2-.Ltmp4, $4  }
0xb9: {  	[hbm4b:s14+s3] =	stream.linear.scatter [tilespmem:s31], [sflag:$0x1], $0x400, $0x38;
	[tilespmem:$0x7100] =	vst v63  }
0xba: {  	_ =	swait.ge [sflag:s16], $0x400  }
0xbb: {  	[sflag:s16] =	ssyncset.done $0x0  }
0xbc: {  	[sflag:s16] =	ssyncadd.s32 $0xFFFFFC00  }
.LBB2_9:
0xbd: {  	_ =	sfence.sel $0x180000  }
0xbe: {  	[bflag:$0x0] =	sbarrier.arrive $0xFFFF  }
0xbf: {  	_ =	strace $0x90000047  }
0xc0: {  	s0 =	stileid.u32;
	[bflag:$0x2] =	sbarrier.arrive $0xFFFF  }
0xc1: {  	p0 =	sne.s32 s0, $0x0;
	s0 =	rddreg [dreg:$0x2]  }
0xc2: {  	s0 =	sadd.s32 @!p0 $0x100000, s0  }
0xc3: {  	[sflag:s0] =	ssyncadd.tile.s32 @!p0 $0x1;
	_ =	shalt  }
.Lfunc_end2:
_tile_overlayer_lowered:
.L_overlay_start_2:
0xc4: {  	(tag) =	ssettag $0x2  }
0xc5: {  	s0 =	rddreg [dreg:$0x0];
	s2 =	stileid.u32  }
0xc6: {  	s1 =	rddreg [dreg:$0x1];
	p0 =	sne.s32 s2, $0x0  }
0xc7: {  	s3 =	rddreg [dreg:$0x2];
	[bflag:$0x3] =	sbarrier.arrive $0xFFFF;
	s2 =	simm.s32 @!p0 $0x1C01  }
0xc8: {  	[timem:s3], [sflag:s2] =	dma.local @!p0 [hbm:s0], s1  }
0xc9: {  	s0 =	simm.s32 @!p0 $0x1  }
0xca: {  	_ =	swait.ge @!p0 [sflag:s0], s1  }
0xcb: {  	s1 =	ssub.s32 @!p0 $0x0, s1;
	[sflag:s0] =	ssyncset.done @!p0 $0x0  }
0xcc: {  	[sflag:s0] =	ssyncadd.s32 @!p0 s1  }
0xcd: {  	[bflag:$0x3] =	sbarrier.arrive $0xFFFF  }
0xce: {  	_ =	shalt  }

</sc_bundles>
